<compile_context>
chip_gen: v7x
topology: tpu7x:2x2x1
jax: 0.10.2.dev20260603
libtpu: 0.0.44.dev20260713+nightly
codegen_flags: <defaults>
</compile_context>

<pallas_src>
import functools

import jax
import jax.numpy as jnp
from jax import lax
from jax.experimental import pallas as pl
from jax.experimental.pallas import tpu as pltpu
from jax.experimental.pallas import tpu_sc as plsc

_N = 8388608
_W = 672
_NUM_CASES = 512


_LANES = 128
_ROWS = _N // _LANES
_BLK_R = 8192
_GRID = _ROWS // _BLK_R


def _tc_body(p_ref, t_ref, out_ref):
    k = pl.program_id(0)

    @pl.when(k == 0)
    def _init():
        out_ref[...] = jnp.zeros((1, 1), jnp.float32)

    d = p_ref[...] - t_ref[...]
    out_ref[...] = out_ref[...] + jnp.sum(d * d).reshape(1, 1)


def _tc_sum_sq(pred, true):
    p2 = pred.reshape(_ROWS, _LANES)
    t2 = true.reshape(_ROWS, _LANES)
    spec = pl.BlockSpec((_BLK_R, _LANES), lambda k: (k, 0))
    total = pl.pallas_call(
        _tc_body,
        grid=(_GRID,),
        in_specs=[spec, spec],
        out_specs=pl.BlockSpec((1, 1), lambda k: (0, 0)),
        out_shape=jax.ShapeDtypeStruct((1, 1), jnp.float32),
    )(p2, t2)
    return total[0, 0]



_NW = 32
_CPW = _NUM_CASES // _NW
_NVEC = _W // 16
_SEARCH_ROUNDS = 24
_CHUNKS = [(0, 128), (128, 128), (256, 128), (384, 128), (512, 128),
           (640, 32)]


def _sc_boundary_kernel():
    mesh = plsc.VectorSubcoreMesh(core_axis_name="c", subcore_axis_name="s")

    @functools.partial(
        pl.kernel,
        mesh=mesh,
        out_type=jax.ShapeDtypeStruct((_NW, 16), jnp.float32),
        scratch_types=[
            pltpu.VMEM((32,), jnp.int32),
            pltpu.VMEM((32,), jnp.int32),
            pltpu.VMEM((_W,), jnp.int32),
            pltpu.VMEM((_W,), jnp.float32),
            pltpu.VMEM((_W,), jnp.float32),
            pltpu.VMEM((16,), jnp.float32),
            pltpu.SemaphoreType.DMA,
        ],
    )
    def sc_kernel(batch_hbm, pred_hbm, true_hbm, out_hbm,
                  idx_v, val_v, widx, pbuf, tbuf, acc_v, sem):
        cid = lax.axis_index("c")
        sid = lax.axis_index("s")
        wid = sid * 2 + cid

        lane = jnp.arange(16, dtype=jnp.int32)
        tgt_a = wid * _CPW + lane
        tgt_b = tgt_a + 1

        zeros = jnp.zeros((16,), jnp.int32)
        full_n = jnp.full((16,), _N, jnp.int32)
        nm1 = jnp.full((16,), _N - 1, jnp.int32)

        def srch(_, carry):
            lo_a, hi_a, lo_b, hi_b = carry
            mid_a = (lo_a + hi_a) >> 1
            mid_b = (lo_b + hi_b) >> 1
            idx_v[pl.ds(0, 16)] = jnp.minimum(mid_a, nm1)
            idx_v[pl.ds(16, 16)] = jnp.minimum(mid_b, nm1)
            pltpu.async_copy(batch_hbm.at[idx_v], val_v, sem).wait()
            va = val_v[pl.ds(0, 16)]
            vb = val_v[pl.ds(16, 16)]
            lo_a2 = jnp.where(va < tgt_a, mid_a + 1, lo_a)
            hi_a2 = jnp.where(va < tgt_a, hi_a, mid_a)
            lo_b2 = jnp.where(vb < tgt_b, mid_b + 1, lo_b)
            hi_b2 = jnp.where(vb < tgt_b, hi_b, mid_b)
            lo_a3 = jnp.where(lo_a < hi_a, lo_a2, lo_a)
            hi_a3 = jnp.where(lo_a < hi_a, hi_a2, hi_a)
            lo_b3 = jnp.where(lo_b < hi_b, lo_b2, lo_b)
            hi_b3 = jnp.where(lo_b < hi_b, hi_b2, hi_b)
            return lo_a3, hi_a3, lo_b3, hi_b3

        starts, _, nexts, _ = lax.fori_loop(
            0, _SEARCH_ROUNDS, srch, (zeros, full_n, zeros, full_n))

        lens = jnp.minimum(jnp.int32(_W), nexts - starts)

        def one_case(j, acc):
            sel = jnp.full((16,), 0, jnp.int32) + j
            s_bc = starts.at[sel].get(mode="promise_in_bounds")
            l_bc = lens.at[sel].get(mode="promise_in_bounds")
            for k in range(_NVEC):
                widx[pl.ds(k * 16, 16)] = jnp.minimum(
                    s_bc + (k * 16) + lane, nm1)
            copies = []
            for (o, n) in _CHUNKS:
                copies.append(pltpu.make_async_copy(
                    pred_hbm.at[widx.at[pl.ds(o, n)]],
                    pbuf.at[pl.ds(o, n)], sem))
                copies.append(pltpu.make_async_copy(
                    true_hbm.at[widx.at[pl.ds(o, n)]],
                    tbuf.at[pl.ds(o, n)], sem))
            for c in copies:
                c.start()
            for c in copies:
                c.wait()
            for k in range(_NVEC):
                off = jnp.int32(k * 16) + lane
                p = pbuf[pl.ds(k * 16, 16)]
                t = tbuf[pl.ds(k * 16, 16)]
                d = p - t
                acc = acc + jnp.where(off < l_bc, d * d, jnp.float32(0.0))
            return acc

        acc = lax.fori_loop(0, _CPW, one_case,
                            jnp.zeros((16,), jnp.float32))
        acc_v[...] = acc
        pltpu.sync_copy(acc_v, out_hbm.at[wid])

    return sc_kernel


def kernel(batch, pred, true):
    partials = _sc_boundary_kernel()(batch.astype(jnp.int32), pred, true)
    s_all = _tc_sum_sq(pred, true)
    s_bnd = jnp.sum(partials)
    return (s_all + 9.0 * s_bnd) / _N

# --- scband reference (transcript-rebuilt; emitter-appended) ---
"""Pipeline reference for scband-boundary-mse-12945031430860 (READ-ONLY COPY).

The authoritative reference and input builder live on the scoring server;
editing this copy changes nothing except your own understanding.
"""

import jax, jax.numpy as jnp
import numpy as np

N = 8388608
NUM_CASES = 512
WEIGHTS_NUM = 672
WEIGHTS = 10.0


def setup_inputs(seed: int = 0) -> dict:
    key = jax.random.key(seed)
    k1, k2, k3 = jax.random.split(key, 3)
    batch = jnp.sort(jax.random.randint(k1, (N,), 0, NUM_CASES))
    pred = jax.random.normal(k2, (N,), dtype=jnp.float32)
    true = jax.random.normal(k3, (N,), dtype=jnp.float32)
    return {"batch": batch, "pred": pred, "true": true}


def reference(batch, pred, true):
    # weight = torch.ones_like(true)
    weight = jnp.ones_like(true)
    # num_case = batch.max() + 1  (with sorted_randint over [0, NUM_CASES), max is NUM_CASES-1)
    num_case = NUM_CASES
    # boundary_index = arange(weights_num) * ones((num_case, 1))
    boundary_index = jnp.arange(WEIGHTS_NUM, dtype=jnp.int32)[None, :] * jnp.ones((num_case, 1), dtype=jnp.int32)
    # boundary_index[1:, :] += cumsum(bincount(batch))[:-1].unsqueeze(1)
    counts = jnp.bincount(batch, length=num_case)
    offsets = jnp.cumsum(counts)[:-1].astype(jnp.int32)
    boundary_index = boundary_index.at[1:, :].add(offsets[:, None])
    boundary_index = boundary_index.reshape(-1)
    # weight[boundary_index] = self.weights  (scatter-overwrite)
    weight = weight.at[boundary_index].set(WEIGHTS)
    loss = jnp.mean(weight * (pred - true) ** 2)
    return loss

if __name__ == "__main__":
    import jax
    _d = setup_inputs()
    print(jax.jit(kernel)(*tuple(_d.values())))

</pallas_src>

<mosaic_0001>
#map = affine_map<(d0, d1) -> (0)>
#map1 = affine_map<(d0, d1) -> (0, 0)>
module attributes {stable_mosaic.version = 14 : i64} {
  func.func @sc_kernel(%arg0: i32, %arg1: i32, %arg2: memref<8388608xi32, #tpu.memory_space<hbm>>, %arg3: memref<8388608xf32, #tpu.memory_space<hbm>>, %arg4: memref<8388608xf32, #tpu.memory_space<hbm>>, %arg5: memref<32x16xf32, #tpu.memory_space<hbm>>, %arg6: memref<32xi32, #tpu.memory_space<vmem>>, %arg7: memref<32xi32, #tpu.memory_space<vmem>>, %arg8: memref<672xi32, #tpu.memory_space<vmem>>, %arg9: memref<672xf32, #tpu.memory_space<vmem>>, %arg10: memref<672xf32, #tpu.memory_space<vmem>>, %arg11: memref<16xf32, #tpu.memory_space<vmem>>, %arg12: memref<!tpu.dma_semaphore, #tpu.memory_space<semaphore_mem>>) attributes {dimension_semantics = [#tpu.dimension_semantics<core_parallel>, #tpu.dimension_semantics<subcore_parallel>], iteration_bounds = array<i64: 2, 16>, scalar_prefetch = 0 : i64, scratch_operands = 7 : i64, tpu.core_type = #tpu.core_type<sc_vector_subcore>, window_params = [{transform_indices = #map}, {transform_indices = #map}, {transform_indices = #map}, {transform_indices = #map1}]} {
    %mul3A = arith.constant 2 : i32
    %mul3A_0 = arith.muli %arg1, %mul3A : i32
    %add3A = arith.addi %mul3A_0, %arg0 : i32
    %iota3A = tpu.iota {dimensions = array<i32: 0>} : vector<16xi32>
    %mul3A_1 = arith.constant 16 : i32
    %mul3A_2 = arith.muli %add3A, %mul3A_1 : i32
    %add3A_3 = vector.broadcast %mul3A_2 : i32 to vector<16xi32>
    %add3A_4 = arith.addi %add3A_3, %iota3A : vector<16xi32>
    %add3A_5 = arith.constant 1 : i32
    %add3A_6 = vector.broadcast %add3A_5 : i32 to vector<16xi32>
    %add3A_7 = arith.addi %add3A_4, %add3A_6 : vector<16xi32>
    %broadcast_in_dim3A = arith.constant 0 : i32
    %broadcast_in_dim3A_8 = vector.broadcast %broadcast_in_dim3A : i32 to vector<16xi32>
    %broadcast_in_dim3A_9 = arith.constant 8388608 : i32
    %broadcast_in_dim3A_10 = vector.broadcast %broadcast_in_dim3A_9 : i32 to vector<16xi32>
    %broadcast_in_dim3A_11 = arith.constant 8388607 : i32
    %broadcast_in_dim3A_12 = vector.broadcast %broadcast_in_dim3A_11 : i32 to vector<16xi32>
    %scan3A = arith.constant 0 : i32
    %scan3A_13 = arith.constant 24 : i32
    %scan3A_14 = arith.addi %scan3A, %scan3A_13 : i32
    %scan3A_15 = arith.constant 1 : i32
    %scan3A_16:4 = scf.for %scan3A_31 = %scan3A to %scan3A_14 step %scan3A_15 iter_args(%scan3A_32 = %broadcast_in_dim3A_8, %scan3A_33 = %broadcast_in_dim3A_10, %scan3A_34 = %broadcast_in_dim3A_8, %scan3A_35 = %broadcast_in_dim3A_10) -> (vector<16xi32>, vector<16xi32>, vector<16xi32>, vector<16xi32>)  : i32 {
      %add3A_36 = arith.addi %scan3A_32, %scan3A_33 : vector<16xi32>
      %shift_right_arithmetic3A = arith.constant 1 : i32
      %shift_right_arithmetic3A_37 = vector.broadcast %shift_right_arithmetic3A : i32 to vector<16xi32>
      %shift_right_arithmetic3A_38 = arith.shrsi %add3A_36, %shift_right_arithmetic3A_37 : vector<16xi32>
      %add3A_39 = arith.addi %scan3A_34, %scan3A_35 : vector<16xi32>
      %shift_right_arithmetic3A_40 = arith.constant 1 : i32
      %shift_right_arithmetic3A_41 = vector.broadcast %shift_right_arithmetic3A_40 : i32 to vector<16xi32>
      %shift_right_arithmetic3A_42 = arith.shrsi %add3A_39, %shift_right_arithmetic3A_41 : vector<16xi32>
      %min3A_43 = arith.minsi %shift_right_arithmetic3A_38, %broadcast_in_dim3A_12 : vector<16xi32>
      %swap3A_44 = arith.constant 0 : index
      %swap3A_45 = tpu.vector_load %arg6[%swap3A_44] {strides = array<i32>} : memref<32xi32, #tpu.memory_space<vmem>>, vector<16xi32>,
      %swap3A_46 = vector.shape_cast %swap3A_45 : vector<16xi32> to vector<16xi32>
      %swap3A_47 = vector.shape_cast %min3A_43 : vector<16xi32> to vector<16xi32>
      tpu.vector_store %arg6[%swap3A_44], %swap3A_47 {strides = array<i32>} : memref<32xi32, #tpu.memory_space<vmem>>, vector<16xi32>,
      %min3A_48 = arith.minsi %shift_right_arithmetic3A_42, %broadcast_in_dim3A_12 : vector<16xi32>
      %swap3A_49 = arith.constant 16 : index
      %swap3A_50 = tpu.vector_load %arg6[%swap3A_49] {strides = array<i32>} : memref<32xi32, #tpu.memory_space<vmem>>, vector<16xi32>,
      %swap3A_51 = vector.shape_cast %swap3A_50 : vector<16xi32> to vector<16xi32>
      %swap3A_52 = vector.shape_cast %min3A_48 : vector<16xi32> to vector<16xi32>
      tpu.vector_store %arg6[%swap3A_49], %swap3A_52 {strides = array<i32>} : memref<32xi32, #tpu.memory_space<vmem>>, vector<16xi32>,
      %dma_start3A = arith.constant 0 : i32
      %dma_start3A_53 = tpu.memref_slice %arg2[%dma_start3A] : memref<8388608xi32, #tpu.memory_space<hbm>> -> memref<8388608xi32, #tpu.memory_space<hbm>>
      tpu.enqueue_indirect_dma source(%dma_start3A_53 : memref<8388608xi32, #tpu.memory_space<hbm>>) target(%arg7 : memref<32xi32, #tpu.memory_space<vmem>>) offsets(%arg6 : memref<32xi32, #tpu.memory_space<vmem>>) semaphore(%arg12 : memref<!tpu.dma_semaphore, #tpu.memory_space<semaphore_mem>>)
      %dma_wait3A = arith.constant 0 : i32
      %dma_wait3A_54 = tpu.memref_slice %arg2[%dma_wait3A] : memref<8388608xi32, #tpu.memory_space<hbm>> -> memref<8388608xi32, #tpu.memory_space<hbm>>
      tpu.wait_indirect_dma semaphore(%arg12 : memref<!tpu.dma_semaphore, #tpu.memory_space<semaphore_mem>>) src(%dma_wait3A_54 : memref<8388608xi32, #tpu.memory_space<hbm>>) dst(%arg7 : memref<32xi32, #tpu.memory_space<vmem>>)
      %get3A = arith.constant 0 : index
      %get3A_55 = tpu.vector_load %arg7[%get3A] {strides = array<i32>} : memref<32xi32, #tpu.memory_space<vmem>>, vector<16xi32>,
      %get3A_56 = vector.shape_cast %get3A_55 : vector<16xi32> to vector<16xi32>
      %get3A_57 = arith.constant 16 : index
      %get3A_58 = tpu.vector_load %arg7[%get3A_57] {strides = array<i32>} : memref<32xi32, #tpu.memory_space<vmem>>, vector<16xi32>,
      %get3A_59 = vector.shape_cast %get3A_58 : vector<16xi32> to vector<16xi32>
      %lt3A = arith.cmpi slt, %get3A_56, %add3A_4 : vector<16xi32>
      %add3A_60 = arith.constant 1 : i32
      %add3A_61 = vector.broadcast %add3A_60 : i32 to vector<16xi32>
      %add3A_62 = arith.addi %shift_right_arithmetic3A_38, %add3A_61 : vector<16xi32>
      %select_n3A = arith.select %lt3A, %add3A_62, %scan3A_32 : vector<16xi1>, vector<16xi32>
      %lt3A_63 = arith.cmpi slt, %get3A_56, %add3A_4 : vector<16xi32>
      %select_n3A_64 = arith.select %lt3A_63, %scan3A_33, %shift_right_arithmetic3A_38 : vector<16xi1>, vector<16xi32>
      %lt3A_65 = arith.cmpi slt, %get3A_59, %add3A_7 : vector<16xi32>
      %add3A_66 = arith.constant 1 : i32
      %add3A_67 = vector.broadcast %add3A_66 : i32 to vector<16xi32>
      %add3A_68 = arith.addi %shift_right_arithmetic3A_42, %add3A_67 : vector<16xi32>
      %select_n3A_69 = arith.select %lt3A_65, %add3A_68, %scan3A_34 : vector<16xi1>, vector<16xi32>
      %lt3A_70 = arith.cmpi slt, %get3A_59, %add3A_7 : vector<16xi32>
      %select_n3A_71 = arith.select %lt3A_70, %scan3A_35, %shift_right_arithmetic3A_42 : vector<16xi1>, vector<16xi32>
      %lt3A_72 = arith.cmpi slt, %scan3A_32, %scan3A_33 : vector<16xi32>
      %select_n3A_73 = arith.select %lt3A_72, %select_n3A, %scan3A_32 : vector<16xi1>, vector<16xi32>
      %lt3A_74 = arith.cmpi slt, %scan3A_32, %scan3A_33 : vector<16xi32>
      %select_n3A_75 = arith.select %lt3A_74, %select_n3A_64, %scan3A_33 : vector<16xi1>, vector<16xi32>
      %lt3A_76 = arith.cmpi slt, %scan3A_34, %scan3A_35 : vector<16xi32>
      %select_n3A_77 = arith.select %lt3A_76, %select_n3A_69, %scan3A_34 : vector<16xi1>, vector<16xi32>
      %lt3A_78 = arith.cmpi slt, %scan3A_34, %scan3A_35 : vector<16xi32>
      %select_n3A_79 = arith.select %lt3A_78, %select_n3A_71, %scan3A_35 : vector<16xi1>, vector<16xi32>
      scf.yield %select_n3A_73, %select_n3A_75, %select_n3A_77, %select_n3A_79 : vector<16xi32>, vector<16xi32>, vector<16xi32>, vector<16xi32>
    }
    %scan3A_17 = arith.constant 24 : i32
    %sub3A = arith.subi %scan3A_16#2, %scan3A_16#0 : vector<16xi32>
    %min3A = arith.constant 672 : i32
    %min3A_18 = vector.broadcast %min3A : i32 to vector<16xi32>
    %min3A_19 = arith.minsi %min3A_18, %sub3A : vector<16xi32>
    %broadcast_in_dim3A_20 = arith.constant 0.000000e+00 : f32
    %broadcast_in_dim3A_21 = vector.broadcast %broadcast_in_dim3A_20 : f32 to vector<16xf32>
    %scan3A_22 = arith.constant 0 : i32
    %scan3A_23 = arith.constant 16 : i32
    %scan3A_24 = arith.addi %scan3A_22, %scan3A_23 : i32
    %scan3A_25 = arith.constant 1 : i32
    %scan3A_26 = scf.for %scan3A_31 = %scan3A_22 to %scan3A_24 step %scan3A_25 iter_args(%scan3A_32 = %broadcast_in_dim3A_21) -> (vector<16xf32>)  : i32 {
      %broadcast_in_dim3A_33 = arith.constant 0 : i32
      %broadcast_in_dim3A_34 = vector.broadcast %broadcast_in_dim3A_33 : i32 to vector<16xi32>
      %add3A_35 = vector.broadcast %scan3A_31 : i32 to vector<16xi32>
      %add3A_36 = arith.addi %broadcast_in_dim3A_34, %add3A_35 : vector<16xi32>
      %lt3A = arith.constant 0 : i32
      %lt3A_37 = vector.broadcast %lt3A : i32 to vector<16xi32>
      %lt3A_38 = arith.cmpi slt, %add3A_36, %lt3A_37 : vector<16xi32>
      %add3A_39 = arith.constant 16 : i32
      %add3A_40 = vector.broadcast %add3A_39 : i32 to vector<16xi32>
      %add3A_41 = arith.addi %add3A_36, %add3A_40 : vector<16xi32>
      %select_n3A = arith.select %lt3A_38, %add3A_41, %add3A_36 : vector<16xi1>, vector<16xi32>
      %broadcast_in_dim3A_42 = vector.shape_cast %select_n3A : vector<16xi32> to vector<16x1xi32>
      %gather3A = vector.shape_cast %broadcast_in_dim3A_42 : vector<16x1xi32> to vector<16xi32>
      %gather3A_43 = tpu.dynamic_gather %scan3A_16#0[%gather3A] in [0] : vector<16xi32>, vector<16xi32> -> vector<16xi32>
      %lt3A_44 = arith.constant 0 : i32
      %lt3A_45 = vector.broadcast %lt3A_44 : i32 to vector<16xi32>
      %lt3A_46 = arith.cmpi slt, %add3A_36, %lt3A_45 : vector<16xi32>
      %add3A_47 = arith.constant 16 : i32
      %add3A_48 = vector.broadcast %add3A_47 : i32 to vector<16xi32>
      %add3A_49 = arith.addi %add3A_36, %add3A_48 : vector<16xi32>
      %select_n3A_50 = arith.select %lt3A_46, %add3A_49, %add3A_36 : vector<16xi1>, vector<16xi32>
      %broadcast_in_dim3A_51 = vector.shape_cast %select_n3A_50 : vector<16xi32> to vector<16x1xi32>
      %gather3A_52 = vector.shape_cast %broadcast_in_dim3A_51 : vector<16x1xi32> to vector<16xi32>
      %gather3A_53 = tpu.dynamic_gather %min3A_19[%gather3A_52] in [0] : vector<16xi32>, vector<16xi32> -> vector<16xi32>
      %add3A_54 = arith.constant 0 : i32
      %add3A_55 = vector.broadcast %add3A_54 : i32 to vector<16xi32>
      %add3A_56 = arith.addi %gather3A_43, %add3A_55 : vector<16xi32>
      %add3A_57 = arith.addi %add3A_56, %iota3A : vector<16xi32>
      %min3A_58 = arith.minsi %add3A_57, %broadcast_in_dim3A_12 : vector<16xi32>
      %swap3A_59 = arith.constant 0 : index
      %swap3A_60 = tpu.vector_load %arg8[%swap3A_59] {strides = array<i32>} : memref<672xi32, #tpu.memory_space<vmem>>, vector<16xi32>,
      %swap3A_61 = vector.shape_cast %swap3A_60 : vector<16xi32> to vector<16xi32>
      %swap3A_62 = vector.shape_cast %min3A_58 : vector<16xi32> to vector<16xi32>
      tpu.vector_store %arg8[%swap3A_59], %swap3A_62 {strides = array<i32>} : memref<672xi32, #tpu.memory_space<vmem>>, vector<16xi32>,
      %add3A_63 = arith.constant 16 : i32
      %add3A_64 = vector.broadcast %add3A_63 : i32 to vector<16xi32>
      %add3A_65 = arith.addi %gather3A_43, %add3A_64 : vector<16xi32>
      %add3A_66 = arith.addi %add3A_65, %iota3A : vector<16xi32>
      %min3A_67 = arith.minsi %add3A_66, %broadcast_in_dim3A_12 : vector<16xi32>
      %swap3A_68 = arith.constant 16 : index
      %swap3A_69 = tpu.vector_load %arg8[%swap3A_68] {strides = array<i32>} : memref<672xi32, #tpu.memory_space<vmem>>, vector<16xi32>,
      %swap3A_70 = vector.shape_cast %swap3A_69 : vector<16xi32> to vector<16xi32>
      %swap3A_71 = vector.shape_cast %min3A_67 : vector<16xi32> to vector<16xi32>
      tpu.vector_store %arg8[%swap3A_68], %swap3A_71 {strides = array<i32>} : memref<672xi32, #tpu.memory_space<vmem>>, vector<16xi32>,
      %add3A_72 = arith.constant 32 : i32
      %add3A_73 = vector.broadcast %add3A_72 : i32 to vector<16xi32>
      %add3A_74 = arith.addi %gather3A_43, %add3A_73 : vector<16xi32>
      %add3A_75 = arith.addi %add3A_74, %iota3A : vector<16xi32>
      %min3A_76 = arith.minsi %add3A_75, %broadcast_in_dim3A_12 : vector<16xi32>
      %swap3A_77 = arith.constant 32 : index
      %swap3A_78 = tpu.vector_load %arg8[%swap3A_77] {strides = array<i32>} : memref<672xi32, #tpu.memory_space<vmem>>, vector<16xi32>,
      %swap3A_79 = vector.shape_cast %swap3A_78 : vector<16xi32> to vector<16xi32>
      %swap3A_80 = vector.shape_cast %min3A_76 : vector<16xi32> to vector<16xi32>
      tpu.vector_store %arg8[%swap3A_77], %swap3A_80 {strides = array<i32>} : memref<672xi32, #tpu.memory_space<vmem>>, vector<16xi32>,
      %add3A_81 = arith.constant 48 : i32
      %add3A_82 = vector.broadcast %add3A_81 : i32 to vector<16xi32>
      %add3A_83 = arith.addi %gather3A_43, %add3A_82 : vector<16xi32>
      %add3A_84 = arith.addi %add3A_83, %iota3A : vector<16xi32>
      %min3A_85 = arith.minsi %add3A_84, %broadcast_in_dim3A_12 : vector<16xi32>
      %swap3A_86 = arith.constant 48 : index
      %swap3A_87 = tpu.vector_load %arg8[%swap3A_86] {strides = array<i32>} : memref<672xi32, #tpu.memory_space<vmem>>, vector<16xi32>,
      %swap3A_88 = vector.shape_cast %swap3A_87 : vector<16xi32> to vector<16xi32>
      %swap3A_89 = vector.shape_cast %min3A_85 : vector<16xi32> to vector<16xi32>
      tpu.vector_store %arg8[%swap3A_86], %swap3A_89 {strides = array<i32>} : memref<672xi32, #tpu.memory_space<vmem>>, vector<16xi32>,
      %add3A_90 = arith.constant 64 : i32
      %add3A_91 = vector.broadcast %add3A_90 : i32 to vector<16xi32>
      %add3A_92 = arith.addi %gather3A_43, %add3A_91 : vector<16xi32>
      %add3A_93 = arith.addi %add3A_92, %iota3A : vector<16xi32>
      %min3A_94 = arith.minsi %add3A_93, %broadcast_in_dim3A_12 : vector<16xi32>
      %swap3A_95 = arith.constant 64 : index
      %swap3A_96 = tpu.vector_load %arg8[%swap3A_95] {strides = array<i32>} : memref<672xi32, #tpu.memory_space<vmem>>, vector<16xi32>,
      %swap3A_97 = vector.shape_cast %swap3A_96 : vector<16xi32> to vector<16xi32>
      %swap3A_98 = vector.shape_cast %min3A_94 : vector<16xi32> to vector<16xi32>
      tpu.vector_store %arg8[%swap3A_95], %swap3A_98 {strides = array<i32>} : memref<672xi32, #tpu.memory_space<vmem>>, vector<16xi32>,
      %add3A_99 = arith.constant 80 : i32
      %add3A_100 = vector.broadcast %add3A_99 : i32 to vector<16xi32>
      %add3A_101 = arith.addi %gather3A_43, %add3A_100 : vector<16xi32>
      %add3A_102 = arith.addi %add3A_101, %iota3A : vector<16xi32>
      %min3A_103 = arith.minsi %add3A_102, %broadcast_in_dim3A_12 : vector<16xi32>
      %swap3A_104 = arith.constant 80 : index
      %swap3A_105 = tpu.vector_load %arg8[%swap3A_104] {strides = array<i32>} : memref<672xi32, #tpu.memory_space<vmem>>, vector<16xi32>,
      %swap3A_106 = vector.shape_cast %swap3A_105 : vector<16xi32> to vector<16xi32>
      %swap3A_107 = vector.shape_cast %min3A_103 : vector<16xi32> to vector<16xi32>
      tpu.vector_store %arg8[%swap3A_104], %swap3A_107 {strides = array<i32>} : memref<672xi32, #tpu.memory_space<vmem>>, vector<16xi32>,
      %add3A_108 = arith.constant 96 : i32
      %add3A_109 = vector.broadcast %add3A_108 : i32 to vector<16xi32>
      %add3A_110 = arith.addi %gather3A_43, %add3A_109 : vector<16xi32>
      %add3A_111 = arith.addi %add3A_110, %iota3A : vector<16xi32>
      %min3A_112 = arith.minsi %add3A_111, %broadcast_in_dim3A_12 : vector<16xi32>
      %swap3A_113 = arith.constant 96 : index
      %swap3A_114 = tpu.vector_load %arg8[%swap3A_113] {strides = array<i32>} : memref<672xi32, #tpu.memory_space<vmem>>, vector<16xi32>,
      %swap3A_115 = vector.shape_cast %swap3A_114 : vector<16xi32> to vector<16xi32>
      %swap3A_116 = vector.shape_cast %min3A_112 : vector<16xi32> to vector<16xi32>
      tpu.vector_store %arg8[%swap3A_113], %swap3A_116 {strides = array<i32>} : memref<672xi32, #tpu.memory_space<vmem>>, vector<16xi32>,
      %add3A_117 = arith.constant 112 : i32
      %add3A_118 = vector.broadcast %add3A_117 : i32 to vector<16xi32>
      %add3A_119 = arith.addi %gather3A_43, %add3A_118 : vector<16xi32>
      %add3A_120 = arith.addi %add3A_119, %iota3A : vector<16xi32>
      %min3A_121 = arith.minsi %add3A_120, %broadcast_in_dim3A_12 : vector<16xi32>
      %swap3A_122 = arith.constant 112 : index
      %swap3A_123 = tpu.vector_load %arg8[%swap3A_122] {strides = array<i32>} : memref<672xi32, #tpu.memory_space<vmem>>, vector<16xi32>,
      %swap3A_124 = vector.shape_cast %swap3A_123 : vector<16xi32> to vector<16xi32>
      %swap3A_125 = vector.shape_cast %min3A_121 : vector<16xi32> to vector<16xi32>
      tpu.vector_store %arg8[%swap3A_122], %swap3A_125 {strides = array<i32>} : memref<672xi32, #tpu.memory_space<vmem>>, vector<16xi32>,
      %add3A_126 = arith.constant 128 : i32
      %add3A_127 = vector.broadcast %add3A_126 : i32 to vector<16xi32>
      %add3A_128 = arith.addi %gather3A_43, %add3A_127 : vector<16xi32>
      %add3A_129 = arith.addi %add3A_128, %iota3A : vector<16xi32>
      %min3A_130 = arith.minsi %add3A_129, %broadcast_in_dim3A_12 : vector<16xi32>
      %swap3A_131 = arith.constant 128 : index
      %swap3A_132 = tpu.vector_load %arg8[%swap3A_131] {strides = array<i32>} : memref<672xi32, #tpu.memory_space<vmem>>, vector<16xi32>,
      %swap3A_133 = vector.shape_cast %swap3A_132 : vector<16xi32> to vector<16xi32>
      %swap3A_134 = vector.shape_cast %min3A_130 : vector<16xi32> to vector<16xi32>
      tpu.vector_store %arg8[%swap3A_131], %swap3A_134 {strides = array<i32>} : memref<672xi32, #tpu.memory_space<vmem>>, vector<16xi32>,
      %add3A_135 = arith.constant 144 : i32
      %add3A_136 = vector.broadcast %add3A_135 : i32 to vector<16xi32>
      %add3A_137 = arith.addi %gather3A_43, %add3A_136 : vector<16xi32>
      %add3A_138 = arith.addi %add3A_137, %iota3A : vector<16xi32>
      %min3A_139 = arith.minsi %add3A_138, %broadcast_in_dim3A_12 : vector<16xi32>
      %swap3A_140 = arith.constant 144 : index
      %swap3A_141 = tpu.vector_load %arg8[%swap3A_140] {strides = array<i32>} : memref<672xi32, #tpu.memory_space<vmem>>, vector<16xi32>,
      %swap3A_142 = vector.shape_cast %swap3A_141 : vector<16xi32> to vector<16xi32>
      %swap3A_143 = vector.shape_cast %min3A_139 : vector<16xi32> to vector<16xi32>
      tpu.vector_store %arg8[%swap3A_140], %swap3A_143 {strides = array<i32>} : memref<672xi32, #tpu.memory_space<vmem>>, vector<16xi32>,
      %add3A_144 = arith.constant 160 : i32
      %add3A_145 = vector.broadcast %add3A_144 : i32 to vector<16xi32>
      %add3A_146 = arith.addi %gather3A_43, %add3A_145 : vector<16xi32>
      %add3A_147 = arith.addi %add3A_146, %iota3A : vector<16xi32>
      %min3A_148 = arith.minsi %add3A_147, %broadcast_in_dim3A_12 : vector<16xi32>
      %swap3A_149 = arith.constant 160 : index
      %swap3A_150 = tpu.vector_load %arg8[%swap3A_149] {strides = array<i32>} : memref<672xi32, #tpu.memory_space<vmem>>, vector<16xi32>,
      %swap3A_151 = vector.shape_cast %swap3A_150 : vector<16xi32> to vector<16xi32>
      %swap3A_152 = vector.shape_cast %min3A_148 : vector<16xi32> to vector<16xi32>
      tpu.vector_store %arg8[%swap3A_149], %swap3A_152 {strides = array<i32>} : memref<672xi32, #tpu.memory_space<vmem>>, vector<16xi32>,
      %add3A_153 = arith.constant 176 : i32
      %add3A_154 = vector.broadcast %add3A_153 : i32 to vector<16xi32>
      %add3A_155 = arith.addi %gather3A_43, %add3A_154 : vector<16xi32>
      %add3A_156 = arith.addi %add3A_155, %iota3A : vector<16xi32>
      %min3A_157 = arith.minsi %add3A_156, %broadcast_in_dim3A_12 : vector<16xi32>
      %swap3A_158 = arith.constant 176 : index
      %swap3A_159 = tpu.vector_load %arg8[%swap3A_158] {strides = array<i32>} : memref<672xi32, #tpu.memory_space<vmem>>, vector<16xi32>,
      %swap3A_160 = vector.shape_cast %swap3A_159 : vector<16xi32> to vector<16xi32>
      %swap3A_161 = vector.shape_cast %min3A_157 : vector<16xi32> to vector<16xi32>
      tpu.vector_store %arg8[%swap3A_158], %swap3A_161 {strides = array<i32>} : memref<672xi32, #tpu.memory_space<vmem>>, vector<16xi32>,
      %add3A_162 = arith.constant 192 : i32
      %add3A_163 = vector.broadcast %add3A_162 : i32 to vector<16xi32>
      %add3A_164 = arith.addi %gather3A_43, %add3A_163 : vector<16xi32>
      %add3A_165 = arith.addi %add3A_164, %iota3A : vector<16xi32>
      %min3A_166 = arith.minsi %add3A_165, %broadcast_in_dim3A_12 : vector<16xi32>
      %swap3A_167 = arith.constant 192 : index
      %swap3A_168 = tpu.vector_load %arg8[%swap3A_167] {strides = array<i32>} : memref<672xi32, #tpu.memory_space<vmem>>, vector<16xi32>,
      %swap3A_169 = vector.shape_cast %swap3A_168 : vector<16xi32> to vector<16xi32>
      %swap3A_170 = vector.shape_cast %min3A_166 : vector<16xi32> to vector<16xi32>
      tpu.vector_store %arg8[%swap3A_167], %swap3A_170 {strides = array<i32>} : memref<672xi32, #tpu.memory_space<vmem>>, vector<16xi32>,
      %add3A_171 = arith.constant 208 : i32
      %add3A_172 = vector.broadcast %add3A_171 : i32 to vector<16xi32>
      %add3A_173 = arith.addi %gather3A_43, %add3A_172 : vector<16xi32>
      %add3A_174 = arith.addi %add3A_173, %iota3A : vector<16xi32>
      %min3A_175 = arith.minsi %add3A_174, %broadcast_in_dim3A_12 : vector<16xi32>
      %swap3A_176 = arith.constant 208 : index
      %swap3A_177 = tpu.vector_load %arg8[%swap3A_176] {strides = array<i32>} : memref<672xi32, #tpu.memory_space<vmem>>, vector<16xi32>,
      %swap3A_178 = vector.shape_cast %swap3A_177 : vector<16xi32> to vector<16xi32>
      %swap3A_179 = vector.shape_cast %min3A_175 : vector<16xi32> to vector<16xi32>
      tpu.vector_store %arg8[%swap3A_176], %swap3A_179 {strides = array<i32>} : memref<672xi32, #tpu.memory_space<vmem>>, vector<16xi32>,
      %add3A_180 = arith.constant 224 : i32
      %add3A_181 = vector.broadcast %add3A_180 : i32 to vector<16xi32>
      %add3A_182 = arith.addi %gather3A_43, %add3A_181 : vector<16xi32>
      %add3A_183 = arith.addi %add3A_182, %iota3A : vector<16xi32>
      %min3A_184 = arith.minsi %add3A_183, %broadcast_in_dim3A_12 : vector<16xi32>
      %swap3A_185 = arith.constant 224 : index
      %swap3A_186 = tpu.vector_load %arg8[%swap3A_185] {strides = array<i32>} : memref<672xi32, #tpu.memory_space<vmem>>, vector<16xi32>,
      %swap3A_187 = vector.shape_cast %swap3A_186 : vector<16xi32> to vector<16xi32>
      %swap3A_188 = vector.shape_cast %min3A_184 : vector<16xi32> to vector<16xi32>
      tpu.vector_store %arg8[%swap3A_185], %swap3A_188 {strides = array<i32>} : memref<672xi32, #tpu.memory_space<vmem>>, vector<16xi32>,
      %add3A_189 = arith.constant 240 : i32
      %add3A_190 = vector.broadcast %add3A_189 : i32 to vector<16xi32>
      %add3A_191 = arith.addi %gather3A_43, %add3A_190 : vector<16xi32>
      %add3A_192 = arith.addi %add3A_191, %iota3A : vector<16xi32>
      %min3A_193 = arith.minsi %add3A_192, %broadcast_in_dim3A_12 : vector<16xi32>
      %swap3A_194 = arith.constant 240 : index
      %swap3A_195 = tpu.vector_load %arg8[%swap3A_194] {strides = array<i32>} : memref<672xi32, #tpu.memory_space<vmem>>, vector<16xi32>,
      %swap3A_196 = vector.shape_cast %swap3A_195 : vector<16xi32> to vector<16xi32>
      %swap3A_197 = vector.shape_cast %min3A_193 : vector<16xi32> to vector<16xi32>
      tpu.vector_store %arg8[%swap3A_194], %swap3A_197 {strides = array<i32>} : memref<672xi32, #tpu.memory_space<vmem>>, vector<16xi32>,
      %add3A_198 = arith.constant 256 : i32
      %add3A_199 = vector.broadcast %add3A_198 : i32 to vector<16xi32>
      %add3A_200 = arith.addi %gather3A_43, %add3A_199 : vector<16xi32>
      %add3A_201 = arith.addi %add3A_200, %iota3A : vector<16xi32>
      %min3A_202 = arith.minsi %add3A_201, %broadcast_in_dim3A_12 : vector<16xi32>
      %swap3A_203 = arith.constant 256 : index
      %swap3A_204 = tpu.vector_load %arg8[%swap3A_203] {strides = array<i32>} : memref<672xi32, #tpu.memory_space<vmem>>, vector<16xi32>,
      %swap3A_205 = vector.shape_cast %swap3A_204 : vector<16xi32> to vector<16xi32>
      %swap3A_206 = vector.shape_cast %min3A_202 : vector<16xi32> to vector<16xi32>
      tpu.vector_store %arg8[%swap3A_203], %swap3A_206 {strides = array<i32>} : memref<672xi32, #tpu.memory_space<vmem>>, vector<16xi32>,
      %add3A_207 = arith.constant 272 : i32
      %add3A_208 = vector.broadcast %add3A_207 : i32 to vector<16xi32>
      %add3A_209 = arith.addi %gather3A_43, %add3A_208 : vector<16xi32>
      %add3A_210 = arith.addi %add3A_209, %iota3A : vector<16xi32>
      %min3A_211 = arith.minsi %add3A_210, %broadcast_in_dim3A_12 : vector<16xi32>
      %swap3A_212 = arith.constant 272 : index
      %swap3A_213 = tpu.vector_load %arg8[%swap3A_212] {strides = array<i32>} : memref<672xi32, #tpu.memory_space<vmem>>, vector<16xi32>,
      %swap3A_214 = vector.shape_cast %swap3A_213 : vector<16xi32> to vector<16xi32>
      %swap3A_215 = vector.shape_cast %min3A_211 : vector<16xi32> to vector<16xi32>
      tpu.vector_store %arg8[%swap3A_212], %swap3A_215 {strides = array<i32>} : memref<672xi32, #tpu.memory_space<vmem>>, vector<16xi32>,
      %add3A_216 = arith.constant 288 : i32
      %add3A_217 = vector.broadcast %add3A_216 : i32 to vector<16xi32>
      %add3A_218 = arith.addi %gather3A_43, %add3A_217 : vector<16xi32>
      %add3A_219 = arith.addi %add3A_218, %iota3A : vector<16xi32>
      %min3A_220 = arith.minsi %add3A_219, %broadcast_in_dim3A_12 : vector<16xi32>
      %swap3A_221 = arith.constant 288 : index
      %swap3A_222 = tpu.vector_load %arg8[%swap3A_221] {strides = array<i32>} : memref<672xi32, #tpu.memory_space<vmem>>, vector<16xi32>,
      %swap3A_223 = vector.shape_cast %swap3A_222 : vector<16xi32> to vector<16xi32>
      %swap3A_224 = vector.shape_cast %min3A_220 : vector<16xi32> to vector<16xi32>
      tpu.vector_store %arg8[%swap3A_221], %swap3A_224 {strides = array<i32>} : memref<672xi32, #tpu.memory_space<vmem>>, vector<16xi32>,
      %add3A_225 = arith.constant 304 : i32
      %add3A_226 = vector.broadcast %add3A_225 : i32 to vector<16xi32>
      %add3A_227 = arith.addi %gather3A_43, %add3A_226 : vector<16xi32>
      %add3A_228 = arith.addi %add3A_227, %iota3A : vector<16xi32>
      %min3A_229 = arith.minsi %add3A_228, %broadcast_in_dim3A_12 : vector<16xi32>
      %swap3A_230 = arith.constant 304 : index
      %swap3A_231 = tpu.vector_load %arg8[%swap3A_230] {strides = array<i32>} : memref<672xi32, #tpu.memory_space<vmem>>, vector<16xi32>,
      %swap3A_232 = vector.shape_cast %swap3A_231 : vector<16xi32> to vector<16xi32>
      %swap3A_233 = vector.shape_cast %min3A_229 : vector<16xi32> to vector<16xi32>
      tpu.vector_store %arg8[%swap3A_230], %swap3A_233 {strides = array<i32>} : memref<672xi32, #tpu.memory_space<vmem>>, vector<16xi32>,
      %add3A_234 = arith.constant 320 : i32
      %add3A_235 = vector.broadcast %add3A_234 : i32 to vector<16xi32>
      %add3A_236 = arith.addi %gather3A_43, %add3A_235 : vector<16xi32>
      %add3A_237 = arith.addi %add3A_236, %iota3A : vector<16xi32>
      %min3A_238 = arith.minsi %add3A_237, %broadcast_in_dim3A_12 : vector<16xi32>
      %swap3A_239 = arith.constant 320 : index
      %swap3A_240 = tpu.vector_load %arg8[%swap3A_239] {strides = array<i32>} : memref<672xi32, #tpu.memory_space<vmem>>, vector<16xi32>,
      %swap3A_241 = vector.shape_cast %swap3A_240 : vector<16xi32> to vector<16xi32>
      %swap3A_242 = vector.shape_cast %min3A_238 : vector<16xi32> to vector<16xi32>
      tpu.vector_store %arg8[%swap3A_239], %swap3A_242 {strides = array<i32>} : memref<672xi32, #tpu.memory_space<vmem>>, vector<16xi32>,
      %add3A_243 = arith.constant 336 : i32
      %add3A_244 = vector.broadcast %add3A_243 : i32 to vector<16xi32>
      %add3A_245 = arith.addi %gather3A_43, %add3A_244 : vector<16xi32>
      %add3A_246 = arith.addi %add3A_245, %iota3A : vector<16xi32>
      %min3A_247 = arith.minsi %add3A_246, %broadcast_in_dim3A_12 : vector<16xi32>
      %swap3A_248 = arith.constant 336 : index
      %swap3A_249 = tpu.vector_load %arg8[%swap3A_248] {strides = array<i32>} : memref<672xi32, #tpu.memory_space<vmem>>, vector<16xi32>,
      %swap3A_250 = vector.shape_cast %swap3A_249 : vector<16xi32> to vector<16xi32>
      %swap3A_251 = vector.shape_cast %min3A_247 : vector<16xi32> to vector<16xi32>
      tpu.vector_store %arg8[%swap3A_248], %swap3A_251 {strides = array<i32>} : memref<672xi32, #tpu.memory_space<vmem>>, vector<16xi32>,
      %add3A_252 = arith.constant 352 : i32
      %add3A_253 = vector.broadcast %add3A_252 : i32 to vector<16xi32>
      %add3A_254 = arith.addi %gather3A_43, %add3A_253 : vector<16xi32>
      %add3A_255 = arith.addi %add3A_254, %iota3A : vector<16xi32>
      %min3A_256 = arith.minsi %add3A_255, %broadcast_in_dim3A_12 : vector<16xi32>
      %swap3A_257 = arith.constant 352 : index
      %swap3A_258 = tpu.vector_load %arg8[%swap3A_257] {strides = array<i32>} : memref<672xi32, #tpu.memory_space<vmem>>, vector<16xi32>,
      %swap3A_259 = vector.shape_cast %swap3A_258 : vector<16xi32> to vector<16xi32>
      %swap3A_260 = vector.shape_cast %min3A_256 : vector<16xi32> to vector<16xi32>
      tpu.vector_store %arg8[%swap3A_257], %swap3A_260 {strides = array<i32>} : memref<672xi32, #tpu.memory_space<vmem>>, vector<16xi32>,
      %add3A_261 = arith.constant 368 : i32
      %add3A_262 = vector.broadcast %add3A_261 : i32 to vector<16xi32>
      %add3A_263 = arith.addi %gather3A_43, %add3A_262 : vector<16xi32>
      %add3A_264 = arith.addi %add3A_263, %iota3A : vector<16xi32>
      %min3A_265 = arith.minsi %add3A_264, %broadcast_in_dim3A_12 : vector<16xi32>
      %swap3A_266 = arith.constant 368 : index
      %swap3A_267 = tpu.vector_load %arg8[%swap3A_266] {strides = array<i32>} : memref<672xi32, #tpu.memory_space<vmem>>, vector<16xi32>,
      %swap3A_268 = vector.shape_cast %swap3A_267 : vector<16xi32> to vector<16xi32>
      %swap3A_269 = vector.shape_cast %min3A_265 : vector<16xi32> to vector<16xi32>
      tpu.vector_store %arg8[%swap3A_266], %swap3A_269 {strides = array<i32>} : memref<672xi32, #tpu.memory_space<vmem>>, vector<16xi32>,
      %add3A_270 = arith.constant 384 : i32
      %add3A_271 = vector.broadcast %add3A_270 : i32 to vector<16xi32>
      %add3A_272 = arith.addi %gather3A_43, %add3A_271 : vector<16xi32>
      %add3A_273 = arith.addi %add3A_272, %iota3A : vector<16xi32>
      %min3A_274 = arith.minsi %add3A_273, %broadcast_in_dim3A_12 : vector<16xi32>
      %swap3A_275 = arith.constant 384 : index
      %swap3A_276 = tpu.vector_load %arg8[%swap3A_275] {strides = array<i32>} : memref<672xi32, #tpu.memory_space<vmem>>, vector<16xi32>,
      %swap3A_277 = vector.shape_cast %swap3A_276 : vector<16xi32> to vector<16xi32>
      %swap3A_278 = vector.shape_cast %min3A_274 : vector<16xi32> to vector<16xi32>
      tpu.vector_store %arg8[%swap3A_275], %swap3A_278 {strides = array<i32>} : memref<672xi32, #tpu.memory_space<vmem>>, vector<16xi32>,
      %add3A_279 = arith.constant 400 : i32
      %add3A_280 = vector.broadcast %add3A_279 : i32 to vector<16xi32>
      %add3A_281 = arith.addi %gather3A_43, %add3A_280 : vector<16xi32>
      %add3A_282 = arith.addi %add3A_281, %iota3A : vector<16xi32>
      %min3A_283 = arith.minsi %add3A_282, %broadcast_in_dim3A_12 : vector<16xi32>
      %swap3A_284 = arith.constant 400 : index
      %swap3A_285 = tpu.vector_load %arg8[%swap3A_284] {strides = array<i32>} : memref<672xi32, #tpu.memory_space<vmem>>, vector<16xi32>,
      %swap3A_286 = vector.shape_cast %swap3A_285 : vector<16xi32> to vector<16xi32>
      %swap3A_287 = vector.shape_cast %min3A_283 : vector<16xi32> to vector<16xi32>
      tpu.vector_store %arg8[%swap3A_284], %swap3A_287 {strides = array<i32>} : memref<672xi32, #tpu.memory_space<vmem>>, vector<16xi32>,
      %add3A_288 = arith.constant 416 : i32
      %add3A_289 = vector.broadcast %add3A_288 : i32 to vector<16xi32>
      %add3A_290 = arith.addi %gather3A_43, %add3A_289 : vector<16xi32>
      %add3A_291 = arith.addi %add3A_290, %iota3A : vector<16xi32>
      %min3A_292 = arith.minsi %add3A_291, %broadcast_in_dim3A_12 : vector<16xi32>
      %swap3A_293 = arith.constant 416 : index
      %swap3A_294 = tpu.vector_load %arg8[%swap3A_293] {strides = array<i32>} : memref<672xi32, #tpu.memory_space<vmem>>, vector<16xi32>,
      %swap3A_295 = vector.shape_cast %swap3A_294 : vector<16xi32> to vector<16xi32>
      %swap3A_296 = vector.shape_cast %min3A_292 : vector<16xi32> to vector<16xi32>
      tpu.vector_store %arg8[%swap3A_293], %swap3A_296 {strides = array<i32>} : memref<672xi32, #tpu.memory_space<vmem>>, vector<16xi32>,
      %add3A_297 = arith.constant 432 : i32
      %add3A_298 = vector.broadcast %add3A_297 : i32 to vector<16xi32>
      %add3A_299 = arith.addi %gather3A_43, %add3A_298 : vector<16xi32>
      %add3A_300 = arith.addi %add3A_299, %iota3A : vector<16xi32>
      %min3A_301 = arith.minsi %add3A_300, %broadcast_in_dim3A_12 : vector<16xi32>
      %swap3A_302 = arith.constant 432 : index
      %swap3A_303 = tpu.vector_load %arg8[%swap3A_302] {strides = array<i32>} : memref<672xi32, #tpu.memory_space<vmem>>, vector<16xi32>,
      %swap3A_304 = vector.shape_cast %swap3A_303 : vector<16xi32> to vector<16xi32>
      %swap3A_305 = vector.shape_cast %min3A_301 : vector<16xi32> to vector<16xi32>
      tpu.vector_store %arg8[%swap3A_302], %swap3A_305 {strides = array<i32>} : memref<672xi32, #tpu.memory_space<vmem>>, vector<16xi32>,
      %add3A_306 = arith.constant 448 : i32
      %add3A_307 = vector.broadcast %add3A_306 : i32 to vector<16xi32>
      %add3A_308 = arith.addi %gather3A_43, %add3A_307 : vector<16xi32>
      %add3A_309 = arith.addi %add3A_308, %iota3A : vector<16xi32>
      %min3A_310 = arith.minsi %add3A_309, %broadcast_in_dim3A_12 : vector<16xi32>
      %swap3A_311 = arith.constant 448 : index
      %swap3A_312 = tpu.vector_load %arg8[%swap3A_311] {strides = array<i32>} : memref<672xi32, #tpu.memory_space<vmem>>, vector<16xi32>,
      %swap3A_313 = vector.shape_cast %swap3A_312 : vector<16xi32> to vector<16xi32>
      %swap3A_314 = vector.shape_cast %min3A_310 : vector<16xi32> to vector<16xi32>
      tpu.vector_store %arg8[%swap3A_311], %swap3A_314 {strides = array<i32>} : memref<672xi32, #tpu.memory_space<vmem>>, vector<16xi32>,
      %add3A_315 = arith.constant 464 : i32
      %add3A_316 = vector.broadcast %add3A_315 : i32 to vector<16xi32>
      %add3A_317 = arith.addi %gather3A_43, %add3A_316 : vector<16xi32>
      %add3A_318 = arith.addi %add3A_317, %iota3A : vector<16xi32>
      %min3A_319 = arith.minsi %add3A_318, %broadcast_in_dim3A_12 : vector<16xi32>
      %swap3A_320 = arith.constant 464 : index
      %swap3A_321 = tpu.vector_load %arg8[%swap3A_320] {strides = array<i32>} : memref<672xi32, #tpu.memory_space<vmem>>, vector<16xi32>,
      %swap3A_322 = vector.shape_cast %swap3A_321 : vector<16xi32> to vector<16xi32>
      %swap3A_323 = vector.shape_cast %min3A_319 : vector<16xi32> to vector<16xi32>
      tpu.vector_store %arg8[%swap3A_320], %swap3A_323 {strides = array<i32>} : memref<672xi32, #tpu.memory_space<vmem>>, vector<16xi32>,
      %add3A_324 = arith.constant 480 : i32
      %add3A_325 = vector.broadcast %add3A_324 : i32 to vector<16xi32>
      %add3A_326 = arith.addi %gather3A_43, %add3A_325 : vector<16xi32>
      %add3A_327 = arith.addi %add3A_326, %iota3A : vector<16xi32>
      %min3A_328 = arith.minsi %add3A_327, %broadcast_in_dim3A_12 : vector<16xi32>
      %swap3A_329 = arith.constant 480 : index
      %swap3A_330 = tpu.vector_load %arg8[%swap3A_329] {strides = array<i32>} : memref<672xi32, #tpu.memory_space<vmem>>, vector<16xi32>,
      %swap3A_331 = vector.shape_cast %swap3A_330 : vector<16xi32> to vector<16xi32>
      %swap3A_332 = vector.shape_cast %min3A_328 : vector<16xi32> to vector<16xi32>
      tpu.vector_store %arg8[%swap3A_329], %swap3A_332 {strides = array<i32>} : memref<672xi32, #tpu.memory_space<vmem>>, vector<16xi32>,
      %add3A_333 = arith.constant 496 : i32
      %add3A_334 = vector.broadcast %add3A_333 : i32 to vector<16xi32>
      %add3A_335 = arith.addi %gather3A_43, %add3A_334 : vector<16xi32>
      %add3A_336 = arith.addi %add3A_335, %iota3A : vector<16xi32>
      %min3A_337 = arith.minsi %add3A_336, %broadcast_in_dim3A_12 : vector<16xi32>
      %swap3A_338 = arith.constant 496 : index
      %swap3A_339 = tpu.vector_load %arg8[%swap3A_338] {strides = array<i32>} : memref<672xi32, #tpu.memory_space<vmem>>, vector<16xi32>,
      %swap3A_340 = vector.shape_cast %swap3A_339 : vector<16xi32> to vector<16xi32>
      %swap3A_341 = vector.shape_cast %min3A_337 : vector<16xi32> to vector<16xi32>
      tpu.vector_store %arg8[%swap3A_338], %swap3A_341 {strides = array<i32>} : memref<672xi32, #tpu.memory_space<vmem>>, vector<16xi32>,
      %add3A_342 = arith.constant 512 : i32
      %add3A_343 = vector.broadcast %add3A_342 : i32 to vector<16xi32>
      %add3A_344 = arith.addi %gather3A_43, %add3A_343 : vector<16xi32>
      %add3A_345 = arith.addi %add3A_344, %iota3A : vector<16xi32>
      %min3A_346 = arith.minsi %add3A_345, %broadcast_in_dim3A_12 : vector<16xi32>
      %swap3A_347 = arith.constant 512 : index
      %swap3A_348 = tpu.vector_load %arg8[%swap3A_347] {strides = array<i32>} : memref<672xi32, #tpu.memory_space<vmem>>, vector<16xi32>,
      %swap3A_349 = vector.shape_cast %swap3A_348 : vector<16xi32> to vector<16xi32>
      %swap3A_350 = vector.shape_cast %min3A_346 : vector<16xi32> to vector<16xi32>
      tpu.vector_store %arg8[%swap3A_347], %swap3A_350 {strides = array<i32>} : memref<672xi32, #tpu.memory_space<vmem>>, vector<16xi32>,
      %add3A_351 = arith.constant 528 : i32
      %add3A_352 = vector.broadcast %add3A_351 : i32 to vector<16xi32>
      %add3A_353 = arith.addi %gather3A_43, %add3A_352 : vector<16xi32>
      %add3A_354 = arith.addi %add3A_353, %iota3A : vector<16xi32>
      %min3A_355 = arith.minsi %add3A_354, %broadcast_in_dim3A_12 : vector<16xi32>
      %swap3A_356 = arith.constant 528 : index
      %swap3A_357 = tpu.vector_load %arg8[%swap3A_356] {strides = array<i32>} : memref<672xi32, #tpu.memory_space<vmem>>, vector<16xi32>,
      %swap3A_358 = vector.shape_cast %swap3A_357 : vector<16xi32> to vector<16xi32>
      %swap3A_359 = vector.shape_cast %min3A_355 : vector<16xi32> to vector<16xi32>
      tpu.vector_store %arg8[%swap3A_356], %swap3A_359 {strides = array<i32>} : memref<672xi32, #tpu.memory_space<vmem>>, vector<16xi32>,
      %add3A_360 = arith.constant 544 : i32
      %add3A_361 = vector.broadcast %add3A_360 : i32 to vector<16xi32>
      %add3A_362 = arith.addi %gather3A_43, %add3A_361 : vector<16xi32>
      %add3A_363 = arith.addi %add3A_362, %iota3A : vector<16xi32>
      %min3A_364 = arith.minsi %add3A_363, %broadcast_in_dim3A_12 : vector<16xi32>
      %swap3A_365 = arith.constant 544 : index
      %swap3A_366 = tpu.vector_load %arg8[%swap3A_365] {strides = array<i32>} : memref<672xi32, #tpu.memory_space<vmem>>, vector<16xi32>,
      %swap3A_367 = vector.shape_cast %swap3A_366 : vector<16xi32> to vector<16xi32>
      %swap3A_368 = vector.shape_cast %min3A_364 : vector<16xi32> to vector<16xi32>
      tpu.vector_store %arg8[%swap3A_365], %swap3A_368 {strides = array<i32>} : memref<672xi32, #tpu.memory_space<vmem>>, vector<16xi32>,
      %add3A_369 = arith.constant 560 : i32
      %add3A_370 = vector.broadcast %add3A_369 : i32 to vector<16xi32>
      %add3A_371 = arith.addi %gather3A_43, %add3A_370 : vector<16xi32>
      %add3A_372 = arith.addi %add3A_371, %iota3A : vector<16xi32>
      %min3A_373 = arith.minsi %add3A_372, %broadcast_in_dim3A_12 : vector<16xi32>
      %swap3A_374 = arith.constant 560 : index
      %swap3A_375 = tpu.vector_load %arg8[%swap3A_374] {strides = array<i32>} : memref<672xi32, #tpu.memory_space<vmem>>, vector<16xi32>,
      %swap3A_376 = vector.shape_cast %swap3A_375 : vector<16xi32> to vector<16xi32>
      %swap3A_377 = vector.shape_cast %min3A_373 : vector<16xi32> to vector<16xi32>
      tpu.vector_store %arg8[%swap3A_374], %swap3A_377 {strides = array<i32>} : memref<672xi32, #tpu.memory_space<vmem>>, vector<16xi32>,
      %add3A_378 = arith.constant 576 : i32
      %add3A_379 = vector.broadcast %add3A_378 : i32 to vector<16xi32>
      %add3A_380 = arith.addi %gather3A_43, %add3A_379 : vector<16xi32>
      %add3A_381 = arith.addi %add3A_380, %iota3A : vector<16xi32>
      %min3A_382 = arith.minsi %add3A_381, %broadcast_in_dim3A_12 : vector<16xi32>
      %swap3A_383 = arith.constant 576 : index
      %swap3A_384 = tpu.vector_load %arg8[%swap3A_383] {strides = array<i32>} : memref<672xi32, #tpu.memory_space<vmem>>, vector<16xi32>,
      %swap3A_385 = vector.shape_cast %swap3A_384 : vector<16xi32> to vector<16xi32>
      %swap3A_386 = vector.shape_cast %min3A_382 : vector<16xi32> to vector<16xi32>
      tpu.vector_store %arg8[%swap3A_383], %swap3A_386 {strides = array<i32>} : memref<672xi32, #tpu.memory_space<vmem>>, vector<16xi32>,
      %add3A_387 = arith.constant 592 : i32
      %add3A_388 = vector.broadcast %add3A_387 : i32 to vector<16xi32>
      %add3A_389 = arith.addi %gather3A_43, %add3A_388 : vector<16xi32>
      %add3A_390 = arith.addi %add3A_389, %iota3A : vector<16xi32>
      %min3A_391 = arith.minsi %add3A_390, %broadcast_in_dim3A_12 : vector<16xi32>
      %swap3A_392 = arith.constant 592 : index
      %swap3A_393 = tpu.vector_load %arg8[%swap3A_392] {strides = array<i32>} : memref<672xi32, #tpu.memory_space<vmem>>, vector<16xi32>,
      %swap3A_394 = vector.shape_cast %swap3A_393 : vector<16xi32> to vector<16xi32>
      %swap3A_395 = vector.shape_cast %min3A_391 : vector<16xi32> to vector<16xi32>
      tpu.vector_store %arg8[%swap3A_392], %swap3A_395 {strides = array<i32>} : memref<672xi32, #tpu.memory_space<vmem>>, vector<16xi32>,
      %add3A_396 = arith.constant 608 : i32
      %add3A_397 = vector.broadcast %add3A_396 : i32 to vector<16xi32>
      %add3A_398 = arith.addi %gather3A_43, %add3A_397 : vector<16xi32>
      %add3A_399 = arith.addi %add3A_398, %iota3A : vector<16xi32>
      %min3A_400 = arith.minsi %add3A_399, %broadcast_in_dim3A_12 : vector<16xi32>
      %swap3A_401 = arith.constant 608 : index
      %swap3A_402 = tpu.vector_load %arg8[%swap3A_401] {strides = array<i32>} : memref<672xi32, #tpu.memory_space<vmem>>, vector<16xi32>,
      %swap3A_403 = vector.shape_cast %swap3A_402 : vector<16xi32> to vector<16xi32>
      %swap3A_404 = vector.shape_cast %min3A_400 : vector<16xi32> to vector<16xi32>
      tpu.vector_store %arg8[%swap3A_401], %swap3A_404 {strides = array<i32>} : memref<672xi32, #tpu.memory_space<vmem>>, vector<16xi32>,
      %add3A_405 = arith.constant 624 : i32
      %add3A_406 = vector.broadcast %add3A_405 : i32 to vector<16xi32>
      %add3A_407 = arith.addi %gather3A_43, %add3A_406 : vector<16xi32>
      %add3A_408 = arith.addi %add3A_407, %iota3A : vector<16xi32>
      %min3A_409 = arith.minsi %add3A_408, %broadcast_in_dim3A_12 : vector<16xi32>
      %swap3A_410 = arith.constant 624 : index
      %swap3A_411 = tpu.vector_load %arg8[%swap3A_410] {strides = array<i32>} : memref<672xi32, #tpu.memory_space<vmem>>, vector<16xi32>,
      %swap3A_412 = vector.shape_cast %swap3A_411 : vector<16xi32> to vector<16xi32>
      %swap3A_413 = vector.shape_cast %min3A_409 : vector<16xi32> to vector<16xi32>
      tpu.vector_store %arg8[%swap3A_410], %swap3A_413 {strides = array<i32>} : memref<672xi32, #tpu.memory_space<vmem>>, vector<16xi32>,
      %add3A_414 = arith.constant 640 : i32
      %add3A_415 = vector.broadcast %add3A_414 : i32 to vector<16xi32>
      %add3A_416 = arith.addi %gather3A_43, %add3A_415 : vector<16xi32>
      %add3A_417 = arith.addi %add3A_416, %iota3A : vector<16xi32>
      %min3A_418 = arith.minsi %add3A_417, %broadcast_in_dim3A_12 : vector<16xi32>
      %swap3A_419 = arith.constant 640 : index
      %swap3A_420 = tpu.vector_load %arg8[%swap3A_419] {strides = array<i32>} : memref<672xi32, #tpu.memory_space<vmem>>, vector<16xi32>,
      %swap3A_421 = vector.shape_cast %swap3A_420 : vector<16xi32> to vector<16xi32>
      %swap3A_422 = vector.shape_cast %min3A_418 : vector<16xi32> to vector<16xi32>
      tpu.vector_store %arg8[%swap3A_419], %swap3A_422 {strides = array<i32>} : memref<672xi32, #tpu.memory_space<vmem>>, vector<16xi32>,
      %add3A_423 = arith.constant 656 : i32
      %add3A_424 = vector.broadcast %add3A_423 : i32 to vector<16xi32>
      %add3A_425 = arith.addi %gather3A_43, %add3A_424 : vector<16xi32>
      %add3A_426 = arith.addi %add3A_425, %iota3A : vector<16xi32>
      %min3A_427 = arith.minsi %add3A_426, %broadcast_in_dim3A_12 : vector<16xi32>
      %swap3A_428 = arith.constant 656 : index
      %swap3A_429 = tpu.vector_load %arg8[%swap3A_428] {strides = array<i32>} : memref<672xi32, #tpu.memory_space<vmem>>, vector<16xi32>,
      %swap3A_430 = vector.shape_cast %swap3A_429 : vector<16xi32> to vector<16xi32>
      %swap3A_431 = vector.shape_cast %min3A_427 : vector<16xi32> to vector<16xi32>
      tpu.vector_store %arg8[%swap3A_428], %swap3A_431 {strides = array<i32>} : memref<672xi32, #tpu.memory_space<vmem>>, vector<16xi32>,
      %dma_start3A = arith.constant 0 : i32
      %dma_start3A_432 = tpu.memref_slice %arg9[%dma_start3A] : memref<672xf32, #tpu.memory_space<vmem>> -> memref<128xf32, #tpu.memory_space<vmem>>
      %dma_start3A_433 = arith.constant 0 : i32
      %dma_start3A_434 = tpu.memref_slice %arg8[%dma_start3A_433] : memref<672xi32, #tpu.memory_space<vmem>> -> memref<128xi32, #tpu.memory_space<vmem>>
      %dma_start3A_435 = arith.constant 0 : i32
      %dma_start3A_436 = tpu.memref_slice %arg3[%dma_start3A_435] : memref<8388608xf32, #tpu.memory_space<hbm>> -> memref<8388608xf32, #tpu.memory_space<hbm>>
      tpu.enqueue_indirect_dma source(%dma_start3A_436 : memref<8388608xf32, #tpu.memory_space<hbm>>) target(%dma_start3A_432 : memref<128xf32, #tpu.memory_space<vmem>>) offsets(%dma_start3A_434 : memref<128xi32, #tpu.memory_space<vmem>>) semaphore(%arg12 : memref<!tpu.dma_semaphore, #tpu.memory_space<semaphore_mem>>)
      %dma_start3A_437 = arith.constant 0 : i32
      %dma_start3A_438 = tpu.memref_slice %arg10[%dma_start3A_437] : memref<672xf32, #tpu.memory_space<vmem>> -> memref<128xf32, #tpu.memory_space<vmem>>
      %dma_start3A_439 = arith.constant 0 : i32
      %dma_start3A_440 = tpu.memref_slice %arg8[%dma_start3A_439] : memref<672xi32, #tpu.memory_space<vmem>> -> memref<128xi32, #tpu.memory_space<vmem>>
      %dma_start3A_441 = arith.constant 0 : i32
      %dma_start3A_442 = tpu.memref_slice %arg4[%dma_start3A_441] : memref<8388608xf32, #tpu.memory_space<hbm>> -> memref<8388608xf32, #tpu.memory_space<hbm>>
      tpu.enqueue_indirect_dma source(%dma_start3A_442 : memref<8388608xf32, #tpu.memory_space<hbm>>) target(%dma_start3A_438 : memref<128xf32, #tpu.memory_space<vmem>>) offsets(%dma_start3A_440 : memref<128xi32, #tpu.memory_space<vmem>>) semaphore(%arg12 : memref<!tpu.dma_semaphore, #tpu.memory_space<semaphore_mem>>)
      %dma_start3A_443 = arith.constant 128 : i32
      %dma_start3A_444 = tpu.memref_slice %arg9[%dma_start3A_443] : memref<672xf32, #tpu.memory_space<vmem>> -> memref<128xf32, #tpu.memory_space<vmem>>
      %dma_start3A_445 = arith.constant 128 : i32
      %dma_start3A_446 = tpu.memref_slice %arg8[%dma_start3A_445] : memref<672xi32, #tpu.memory_space<vmem>> -> memref<128xi32, #tpu.memory_space<vmem>>
      %dma_start3A_447 = arith.constant 0 : i32
      %dma_start3A_448 = tpu.memref_slice %arg3[%dma_start3A_447] : memref<8388608xf32, #tpu.memory_space<hbm>> -> memref<8388608xf32, #tpu.memory_space<hbm>>
      tpu.enqueue_indirect_dma source(%dma_start3A_448 : memref<8388608xf32, #tpu.memory_space<hbm>>) target(%dma_start3A_444 : memref<128xf32, #tpu.memory_space<vmem>>) offsets(%dma_start3A_446 : memref<128xi32, #tpu.memory_space<vmem>>) semaphore(%arg12 : memref<!tpu.dma_semaphore, #tpu.memory_space<semaphore_mem>>)
      %dma_start3A_449 = arith.constant 128 : i32
      %dma_start3A_450 = tpu.memref_slice %arg10[%dma_start3A_449] : memref<672xf32, #tpu.memory_space<vmem>> -> memref<128xf32, #tpu.memory_space<vmem>>
      %dma_start3A_451 = arith.constant 128 : i32
      %dma_start3A_452 = tpu.memref_slice %arg8[%dma_start3A_451] : memref<672xi32, #tpu.memory_space<vmem>> -> memref<128xi32, #tpu.memory_space<vmem>>
      %dma_start3A_453 = arith.constant 0 : i32
      %dma_start3A_454 = tpu.memref_slice %arg4[%dma_start3A_453] : memref<8388608xf32, #tpu.memory_space<hbm>> -> memref<8388608xf32, #tpu.memory_space<hbm>>
      tpu.enqueue_indirect_dma source(%dma_start3A_454 : memref<8388608xf32, #tpu.memory_space<hbm>>) target(%dma_start3A_450 : memref<128xf32, #tpu.memory_space<vmem>>) offsets(%dma_start3A_452 : memref<128xi32, #tpu.memory_space<vmem>>) semaphore(%arg12 : memref<!tpu.dma_semaphore, #tpu.memory_space<semaphore_mem>>)
      %dma_start3A_455 = arith.constant 256 : i32
      %dma_start3A_456 = tpu.memref_slice %arg9[%dma_start3A_455] : memref<672xf32, #tpu.memory_space<vmem>> -> memref<128xf32, #tpu.memory_space<vmem>>
      %dma_start3A_457 = arith.constant 256 : i32
      %dma_start3A_458 = tpu.memref_slice %arg8[%dma_start3A_457] : memref<672xi32, #tpu.memory_space<vmem>> -> memref<128xi32, #tpu.memory_space<vmem>>
      %dma_start3A_459 = arith.constant 0 : i32
      %dma_start3A_460 = tpu.memref_slice %arg3[%dma_start3A_459] : memref<8388608xf32, #tpu.memory_space<hbm>> -> memref<8388608xf32, #tpu.memory_space<hbm>>
      tpu.enqueue_indirect_dma source(%dma_start3A_460 : memref<8388608xf32, #tpu.memory_space<hbm>>) target(%dma_start3A_456 : memref<128xf32, #tpu.memory_space<vmem>>) offsets(%dma_start3A_458 : memref<128xi32, #tpu.memory_space<vmem>>) semaphore(%arg12 : memref<!tpu.dma_semaphore, #tpu.memory_space<semaphore_mem>>)
      %dma_start3A_461 = arith.constant 256 : i32
      %dma_start3A_462 = tpu.memref_slice %arg10[%dma_start3A_461] : memref<672xf32, #tpu.memory_space<vmem>> -> memref<128xf32, #tpu.memory_space<vmem>>
      %dma_start3A_463 = arith.constant 256 : i32
      %dma_start3A_464 = tpu.memref_slice %arg8[%dma_start3A_463] : memref<672xi32, #tpu.memory_space<vmem>> -> memref<128xi32, #tpu.memory_space<vmem>>
      %dma_start3A_465 = arith.constant 0 : i32
      %dma_start3A_466 = tpu.memref_slice %arg4[%dma_start3A_465] : memref<8388608xf32, #tpu.memory_space<hbm>> -> memref<8388608xf32, #tpu.memory_space<hbm>>
      tpu.enqueue_indirect_dma source(%dma_start3A_466 : memref<8388608xf32, #tpu.memory_space<hbm>>) target(%dma_start3A_462 : memref<128xf32, #tpu.memory_space<vmem>>) offsets(%dma_start3A_464 : memref<128xi32, #tpu.memory_space<vmem>>) semaphore(%arg12 : memref<!tpu.dma_semaphore, #tpu.memory_space<semaphore_mem>>)
      %dma_start3A_467 = arith.constant 384 : i32
      %dma_start3A_468 = tpu.memref_slice %arg9[%dma_start3A_467] : memref<672xf32, #tpu.memory_space<vmem>> -> memref<128xf32, #tpu.memory_space<vmem>>
      %dma_start3A_469 = arith.constant 384 : i32
      %dma_start3A_470 = tpu.memref_slice %arg8[%dma_start3A_469] : memref<672xi32, #tpu.memory_space<vmem>> -> memref<128xi32, #tpu.memory_space<vmem>>
      %dma_start3A_471 = arith.constant 0 : i32
      %dma_start3A_472 = tpu.memref_slice %arg3[%dma_start3A_471] : memref<8388608xf32, #tpu.memory_space<hbm>> -> memref<8388608xf32, #tpu.memory_space<hbm>>
      tpu.enqueue_indirect_dma source(%dma_start3A_472 : memref<8388608xf32, #tpu.memory_space<hbm>>) target(%dma_start3A_468 : memref<128xf32, #tpu.memory_space<vmem>>) offsets(%dma_start3A_470 : memref<128xi32, #tpu.memory_space<vmem>>) semaphore(%arg12 : memref<!tpu.dma_semaphore, #tpu.memory_space<semaphore_mem>>)
      %dma_start3A_473 = arith.constant 384 : i32
      %dma_start3A_474 = tpu.memref_slice %arg10[%dma_start3A_473] : memref<672xf32, #tpu.memory_space<vmem>> -> memref<128xf32, #tpu.memory_space<vmem>>
      %dma_start3A_475 = arith.constant 384 : i32
      %dma_start3A_476 = tpu.memref_slice %arg8[%dma_start3A_475] : memref<672xi32, #tpu.memory_space<vmem>> -> memref<128xi32, #tpu.memory_space<vmem>>
      %dma_start3A_477 = arith.constant 0 : i32
      %dma_start3A_478 = tpu.memref_slice %arg4[%dma_start3A_477] : memref<8388608xf32, #tpu.memory_space<hbm>> -> memref<8388608xf32, #tpu.memory_space<hbm>>
      tpu.enqueue_indirect_dma source(%dma_start3A_478 : memref<8388608xf32, #tpu.memory_space<hbm>>) target(%dma_start3A_474 : memref<128xf32, #tpu.memory_space<vmem>>) offsets(%dma_start3A_476 : memref<128xi32, #tpu.memory_space<vmem>>) semaphore(%arg12 : memref<!tpu.dma_semaphore, #tpu.memory_space<semaphore_mem>>)
      %dma_start3A_479 = arith.constant 512 : i32
      %dma_start3A_480 = tpu.memref_slice %arg9[%dma_start3A_479] : memref<672xf32, #tpu.memory_space<vmem>> -> memref<128xf32, #tpu.memory_space<vmem>>
      %dma_start3A_481 = arith.constant 512 : i32
      %dma_start3A_482 = tpu.memref_slice %arg8[%dma_start3A_481] : memref<672xi32, #tpu.memory_space<vmem>> -> memref<128xi32, #tpu.memory_space<vmem>>
      %dma_start3A_483 = arith.constant 0 : i32
      %dma_start3A_484 = tpu.memref_slice %arg3[%dma_start3A_483] : memref<8388608xf32, #tpu.memory_space<hbm>> -> memref<8388608xf32, #tpu.memory_space<hbm>>
      tpu.enqueue_indirect_dma source(%dma_start3A_484 : memref<8388608xf32, #tpu.memory_space<hbm>>) target(%dma_start3A_480 : memref<128xf32, #tpu.memory_space<vmem>>) offsets(%dma_start3A_482 : memref<128xi32, #tpu.memory_space<vmem>>) semaphore(%arg12 : memref<!tpu.dma_semaphore, #tpu.memory_space<semaphore_mem>>)
      %dma_start3A_485 = arith.constant 512 : i32
      %dma_start3A_486 = tpu.memref_slice %arg10[%dma_start3A_485] : memref<672xf32, #tpu.memory_space<vmem>> -> memref<128xf32, #tpu.memory_space<vmem>>
      %dma_start3A_487 = arith.constant 512 : i32
      %dma_start3A_488 = tpu.memref_slice %arg8[%dma_start3A_487] : memref<672xi32, #tpu.memory_space<vmem>> -> memref<128xi32, #tpu.memory_space<vmem>>
      %dma_start3A_489 = arith.constant 0 : i32
      %dma_start3A_490 = tpu.memref_slice %arg4[%dma_start3A_489] : memref<8388608xf32, #tpu.memory_space<hbm>> -> memref<8388608xf32, #tpu.memory_space<hbm>>
      tpu.enqueue_indirect_dma source(%dma_start3A_490 : memref<8388608xf32, #tpu.memory_space<hbm>>) target(%dma_start3A_486 : memref<128xf32, #tpu.memory_space<vmem>>) offsets(%dma_start3A_488 : memref<128xi32, #tpu.memory_space<vmem>>) semaphore(%arg12 : memref<!tpu.dma_semaphore, #tpu.memory_space<semaphore_mem>>)
      %dma_start3A_491 = arith.constant 640 : i32
      %dma_start3A_492 = tpu.memref_slice %arg9[%dma_start3A_491] : memref<672xf32, #tpu.memory_space<vmem>> -> memref<32xf32, #tpu.memory_space<vmem>>
      %dma_start3A_493 = arith.constant 640 : i32
      %dma_start3A_494 = tpu.memref_slice %arg8[%dma_start3A_493] : memref<672xi32, #tpu.memory_space<vmem>> -> memref<32xi32, #tpu.memory_space<vmem>>
      %dma_start3A_495 = arith.constant 0 : i32
      %dma_start3A_496 = tpu.memref_slice %arg3[%dma_start3A_495] : memref<8388608xf32, #tpu.memory_space<hbm>> -> memref<8388608xf32, #tpu.memory_space<hbm>>
      tpu.enqueue_indirect_dma source(%dma_start3A_496 : memref<8388608xf32, #tpu.memory_space<hbm>>) target(%dma_start3A_492 : memref<32xf32, #tpu.memory_space<vmem>>) offsets(%dma_start3A_494 : memref<32xi32, #tpu.memory_space<vmem>>) semaphore(%arg12 : memref<!tpu.dma_semaphore, #tpu.memory_space<semaphore_mem>>)
      %dma_start3A_497 = arith.constant 640 : i32
      %dma_start3A_498 = tpu.memref_slice %arg10[%dma_start3A_497] : memref<672xf32, #tpu.memory_space<vmem>> -> memref<32xf32, #tpu.memory_space<vmem>>
      %dma_start3A_499 = arith.constant 640 : i32
      %dma_start3A_500 = tpu.memref_slice %arg8[%dma_start3A_499] : memref<672xi32, #tpu.memory_space<vmem>> -> memref<32xi32, #tpu.memory_space<vmem>>
      %dma_start3A_501 = arith.constant 0 : i32
      %dma_start3A_502 = tpu.memref_slice %arg4[%dma_start3A_501] : memref<8388608xf32, #tpu.memory_space<hbm>> -> memref<8388608xf32, #tpu.memory_space<hbm>>
      tpu.enqueue_indirect_dma source(%dma_start3A_502 : memref<8388608xf32, #tpu.memory_space<hbm>>) target(%dma_start3A_498 : memref<32xf32, #tpu.memory_space<vmem>>) offsets(%dma_start3A_500 : memref<32xi32, #tpu.memory_space<vmem>>) semaphore(%arg12 : memref<!tpu.dma_semaphore, #tpu.memory_space<semaphore_mem>>)
      %dma_wait3A = arith.constant 0 : i32
      %dma_wait3A_503 = tpu.memref_slice %arg9[%dma_wait3A] : memref<672xf32, #tpu.memory_space<vmem>> -> memref<128xf32, #tpu.memory_space<vmem>>
      %dma_wait3A_504 = arith.constant 0 : i32
      %dma_wait3A_505 = tpu.memref_slice %arg8[%dma_wait3A_504] : memref<672xi32, #tpu.memory_space<vmem>> -> memref<128xi32, #tpu.memory_space<vmem>>
      %dma_wait3A_506 = arith.constant 0 : i32
      %dma_wait3A_507 = tpu.memref_slice %arg3[%dma_wait3A_506] : memref<8388608xf32, #tpu.memory_space<hbm>> -> memref<8388608xf32, #tpu.memory_space<hbm>>
      tpu.wait_indirect_dma semaphore(%arg12 : memref<!tpu.dma_semaphore, #tpu.memory_space<semaphore_mem>>) src(%dma_wait3A_507 : memref<8388608xf32, #tpu.memory_space<hbm>>) dst(%dma_wait3A_503 : memref<128xf32, #tpu.memory_space<vmem>>)
      %dma_wait3A_508 = arith.constant 0 : i32
      %dma_wait3A_509 = tpu.memref_slice %arg10[%dma_wait3A_508] : memref<672xf32, #tpu.memory_space<vmem>> -> memref<128xf32, #tpu.memory_space<vmem>>
      %dma_wait3A_510 = arith.constant 0 : i32
      %dma_wait3A_511 = tpu.memref_slice %arg8[%dma_wait3A_510] : memref<672xi32, #tpu.memory_space<vmem>> -> memref<128xi32, #tpu.memory_space<vmem>>
      %dma_wait3A_512 = arith.constant 0 : i32
      %dma_wait3A_513 = tpu.memref_slice %arg4[%dma_wait3A_512] : memref<8388608xf32, #tpu.memory_space<hbm>> -> memref<8388608xf32, #tpu.memory_space<hbm>>
      tpu.wait_indirect_dma semaphore(%arg12 : memref<!tpu.dma_semaphore, #tpu.memory_space<semaphore_mem>>) src(%dma_wait3A_513 : memref<8388608xf32, #tpu.memory_space<hbm>>) dst(%dma_wait3A_509 : memref<128xf32, #tpu.memory_space<vmem>>)
      %dma_wait3A_514 = arith.constant 128 : i32
      %dma_wait3A_515 = tpu.memref_slice %arg9[%dma_wait3A_514] : memref<672xf32, #tpu.memory_space<vmem>> -> memref<128xf32, #tpu.memory_space<vmem>>
      %dma_wait3A_516 = arith.constant 128 : i32
      %dma_wait3A_517 = tpu.memref_slice %arg8[%dma_wait3A_516] : memref<672xi32, #tpu.memory_space<vmem>> -> memref<128xi32, #tpu.memory_space<vmem>>
      %dma_wait3A_518 = arith.constant 0 : i32
      %dma_wait3A_519 = tpu.memref_slice %arg3[%dma_wait3A_518] : memref<8388608xf32, #tpu.memory_space<hbm>> -> memref<8388608xf32, #tpu.memory_space<hbm>>
      tpu.wait_indirect_dma semaphore(%arg12 : memref<!tpu.dma_semaphore, #tpu.memory_space<semaphore_mem>>) src(%dma_wait3A_519 : memref<8388608xf32, #tpu.memory_space<hbm>>) dst(%dma_wait3A_515 : memref<128xf32, #tpu.memory_space<vmem>>)
      %dma_wait3A_520 = arith.constant 128 : i32
      %dma_wait3A_521 = tpu.memref_slice %arg10[%dma_wait3A_520] : memref<672xf32, #tpu.memory_space<vmem>> -> memref<128xf32, #tpu.memory_space<vmem>>
      %dma_wait3A_522 = arith.constant 128 : i32
      %dma_wait3A_523 = tpu.memref_slice %arg8[%dma_wait3A_522] : memref<672xi32, #tpu.memory_space<vmem>> -> memref<128xi32, #tpu.memory_space<vmem>>
      %dma_wait3A_524 = arith.constant 0 : i32
      %dma_wait3A_525 = tpu.memref_slice %arg4[%dma_wait3A_524] : memref<8388608xf32, #tpu.memory_space<hbm>> -> memref<8388608xf32, #tpu.memory_space<hbm>>
      tpu.wait_indirect_dma semaphore(%arg12 : memref<!tpu.dma_semaphore, #tpu.memory_space<semaphore_mem>>) src(%dma_wait3A_525 : memref<8388608xf32, #tpu.memory_space<hbm>>) dst(%dma_wait3A_521 : memref<128xf32, #tpu.memory_space<vmem>>)
      %dma_wait3A_526 = arith.constant 256 : i32
      %dma_wait3A_527 = tpu.memref_slice %arg9[%dma_wait3A_526] : memref<672xf32, #tpu.memory_space<vmem>> -> memref<128xf32, #tpu.memory_space<vmem>>
      %dma_wait3A_528 = arith.constant 256 : i32
      %dma_wait3A_529 = tpu.memref_slice %arg8[%dma_wait3A_528] : memref<672xi32, #tpu.memory_space<vmem>> -> memref<128xi32, #tpu.memory_space<vmem>>
      %dma_wait3A_530 = arith.constant 0 : i32
      %dma_wait3A_531 = tpu.memref_slice %arg3[%dma_wait3A_530] : memref<8388608xf32, #tpu.memory_space<hbm>> -> memref<8388608xf32, #tpu.memory_space<hbm>>
      tpu.wait_indirect_dma semaphore(%arg12 : memref<!tpu.dma_semaphore, #tpu.memory_space<semaphore_mem>>) src(%dma_wait3A_531 : memref<8388608xf32, #tpu.memory_space<hbm>>) dst(%dma_wait3A_527 : memref<128xf32, #tpu.memory_space<vmem>>)
      %dma_wait3A_532 = arith.constant 256 : i32
      %dma_wait3A_533 = tpu.memref_slice %arg10[%dma_wait3A_532] : memref<672xf32, #tpu.memory_space<vmem>> -> memref<128xf32, #tpu.memory_space<vmem>>
      %dma_wait3A_534 = arith.constant 256 : i32
      %dma_wait3A_535 = tpu.memref_slice %arg8[%dma_wait3A_534] : memref<672xi32, #tpu.memory_space<vmem>> -> memref<128xi32, #tpu.memory_space<vmem>>
      %dma_wait3A_536 = arith.constant 0 : i32
      %dma_wait3A_537 = tpu.memref_slice %arg4[%dma_wait3A_536] : memref<8388608xf32, #tpu.memory_space<hbm>> -> memref<8388608xf32, #tpu.memory_space<hbm>>
      tpu.wait_indirect_dma semaphore(%arg12 : memref<!tpu.dma_semaphore, #tpu.memory_space<semaphore_mem>>) src(%dma_wait3A_537 : memref<8388608xf32, #tpu.memory_space<hbm>>) dst(%dma_wait3A_533 : memref<128xf32, #tpu.memory_space<vmem>>)
      %dma_wait3A_538 = arith.constant 384 : i32
      %dma_wait3A_539 = tpu.memref_slice %arg9[%dma_wait3A_538] : memref<672xf32, #tpu.memory_space<vmem>> -> memref<128xf32, #tpu.memory_space<vmem>>
      %dma_wait3A_540 = arith.constant 384 : i32
      %dma_wait3A_541 = tpu.memref_slice %arg8[%dma_wait3A_540] : memref<672xi32, #tpu.memory_space<vmem>> -> memref<128xi32, #tpu.memory_space<vmem>>
      %dma_wait3A_542 = arith.constant 0 : i32
      %dma_wait3A_543 = tpu.memref_slice %arg3[%dma_wait3A_542] : memref<8388608xf32, #tpu.memory_space<hbm>> -> memref<8388608xf32, #tpu.memory_space<hbm>>
      tpu.wait_indirect_dma semaphore(%arg12 : memref<!tpu.dma_semaphore, #tpu.memory_space<semaphore_mem>>) src(%dma_wait3A_543 : memref<8388608xf32, #tpu.memory_space<hbm>>) dst(%dma_wait3A_539 : memref<128xf32, #tpu.memory_space<vmem>>)
      %dma_wait3A_544 = arith.constant 384 : i32
      %dma_wait3A_545 = tpu.memref_slice %arg10[%dma_wait3A_544] : memref<672xf32, #tpu.memory_space<vmem>> -> memref<128xf32, #tpu.memory_space<vmem>>
      %dma_wait3A_546 = arith.constant 384 : i32
      %dma_wait3A_547 = tpu.memref_slice %arg8[%dma_wait3A_546] : memref<672xi32, #tpu.memory_space<vmem>> -> memref<128xi32, #tpu.memory_space<vmem>>
      %dma_wait3A_548 = arith.constant 0 : i32
      %dma_wait3A_549 = tpu.memref_slice %arg4[%dma_wait3A_548] : memref<8388608xf32, #tpu.memory_space<hbm>> -> memref<8388608xf32, #tpu.memory_space<hbm>>
      tpu.wait_indirect_dma semaphore(%arg12 : memref<!tpu.dma_semaphore, #tpu.memory_space<semaphore_mem>>) src(%dma_wait3A_549 : memref<8388608xf32, #tpu.memory_space<hbm>>) dst(%dma_wait3A_545 : memref<128xf32, #tpu.memory_space<vmem>>)
      %dma_wait3A_550 = arith.constant 512 : i32
      %dma_wait3A_551 = tpu.memref_slice %arg9[%dma_wait3A_550] : memref<672xf32, #tpu.memory_space<vmem>> -> memref<128xf32, #tpu.memory_space<vmem>>
      %dma_wait3A_552 = arith.constant 512 : i32
      %dma_wait3A_553 = tpu.memref_slice %arg8[%dma_wait3A_552] : memref<672xi32, #tpu.memory_space<vmem>> -> memref<128xi32, #tpu.memory_space<vmem>>
      %dma_wait3A_554 = arith.constant 0 : i32
      %dma_wait3A_555 = tpu.memref_slice %arg3[%dma_wait3A_554] : memref<8388608xf32, #tpu.memory_space<hbm>> -> memref<8388608xf32, #tpu.memory_space<hbm>>
      tpu.wait_indirect_dma semaphore(%arg12 : memref<!tpu.dma_semaphore, #tpu.memory_space<semaphore_mem>>) src(%dma_wait3A_555 : memref<8388608xf32, #tpu.memory_space<hbm>>) dst(%dma_wait3A_551 : memref<128xf32, #tpu.memory_space<vmem>>)
      %dma_wait3A_556 = arith.constant 512 : i32
      %dma_wait3A_557 = tpu.memref_slice %arg10[%dma_wait3A_556] : memref<672xf32, #tpu.memory_space<vmem>> -> memref<128xf32, #tpu.memory_space<vmem>>
      %dma_wait3A_558 = arith.constant 512 : i32
      %dma_wait3A_559 = tpu.memref_slice %arg8[%dma_wait3A_558] : memref<672xi32, #tpu.memory_space<vmem>> -> memref<128xi32, #tpu.memory_space<vmem>>
      %dma_wait3A_560 = arith.constant 0 : i32
      %dma_wait3A_561 = tpu.memref_slice %arg4[%dma_wait3A_560] : memref<8388608xf32, #tpu.memory_space<hbm>> -> memref<8388608xf32, #tpu.memory_space<hbm>>
      tpu.wait_indirect_dma semaphore(%arg12 : memref<!tpu.dma_semaphore, #tpu.memory_space<semaphore_mem>>) src(%dma_wait3A_561 : memref<8388608xf32, #tpu.memory_space<hbm>>) dst(%dma_wait3A_557 : memref<128xf32, #tpu.memory_space<vmem>>)
      %dma_wait3A_562 = arith.constant 640 : i32
      %dma_wait3A_563 = tpu.memref_slice %arg9[%dma_wait3A_562] : memref<672xf32, #tpu.memory_space<vmem>> -> memref<32xf32, #tpu.memory_space<vmem>>
      %dma_wait3A_564 = arith.constant 640 : i32
      %dma_wait3A_565 = tpu.memref_slice %arg8[%dma_wait3A_564] : memref<672xi32, #tpu.memory_space<vmem>> -> memref<32xi32, #tpu.memory_space<vmem>>
      %dma_wait3A_566 = arith.constant 0 : i32
      %dma_wait3A_567 = tpu.memref_slice %arg3[%dma_wait3A_566] : memref<8388608xf32, #tpu.memory_space<hbm>> -> memref<8388608xf32, #tpu.memory_space<hbm>>
      tpu.wait_indirect_dma semaphore(%arg12 : memref<!tpu.dma_semaphore, #tpu.memory_space<semaphore_mem>>) src(%dma_wait3A_567 : memref<8388608xf32, #tpu.memory_space<hbm>>) dst(%dma_wait3A_563 : memref<32xf32, #tpu.memory_space<vmem>>)
      %dma_wait3A_568 = arith.constant 640 : i32
      %dma_wait3A_569 = tpu.memref_slice %arg10[%dma_wait3A_568] : memref<672xf32, #tpu.memory_space<vmem>> -> memref<32xf32, #tpu.memory_space<vmem>>
      %dma_wait3A_570 = arith.constant 640 : i32
      %dma_wait3A_571 = tpu.memref_slice %arg8[%dma_wait3A_570] : memref<672xi32, #tpu.memory_space<vmem>> -> memref<32xi32, #tpu.memory_space<vmem>>
      %dma_wait3A_572 = arith.constant 0 : i32
      %dma_wait3A_573 = tpu.memref_slice %arg4[%dma_wait3A_572] : memref<8388608xf32, #tpu.memory_space<hbm>> -> memref<8388608xf32, #tpu.memory_space<hbm>>
      tpu.wait_indirect_dma semaphore(%arg12 : memref<!tpu.dma_semaphore, #tpu.memory_space<semaphore_mem>>) src(%dma_wait3A_573 : memref<8388608xf32, #tpu.memory_space<hbm>>) dst(%dma_wait3A_569 : memref<32xf32, #tpu.memory_space<vmem>>)
      %add3A_574 = arith.constant 0 : i32
      %add3A_575 = vector.broadcast %add3A_574 : i32 to vector<16xi32>
      %add3A_576 = arith.addi %add3A_575, %iota3A : vector<16xi32>
      %get3A = arith.constant 0 : index
      %get3A_577 = tpu.vector_load %arg9[%get3A] {strides = array<i32>} : memref<672xf32, #tpu.memory_space<vmem>>, vector<16xf32>,
      %get3A_578 = vector.shape_cast %get3A_577 : vector<16xf32> to vector<16xf32>
      %get3A_579 = arith.constant 0 : index
      %get3A_580 = tpu.vector_load %arg10[%get3A_579] {strides = array<i32>} : memref<672xf32, #tpu.memory_space<vmem>>, vector<16xf32>,
      %get3A_581 = vector.shape_cast %get3A_580 : vector<16xf32> to vector<16xf32>
      %sub3A_582 = arith.subf %get3A_578, %get3A_581 : vector<16xf32>
      %lt3A_583 = arith.cmpi slt, %add3A_576, %gather3A_53 : vector<16xi32>
      %mul3A_584 = arith.mulf %sub3A_582, %sub3A_582 : vector<16xf32>
      %jit3A = arith.constant 0.000000e+00 : f32
      %broadcast_in_dim3A_585 = vector.broadcast %jit3A : f32 to vector<16xf32>
      %select_n3A_586 = arith.select %lt3A_583, %mul3A_584, %broadcast_in_dim3A_585 : vector<16xi1>, vector<16xf32>
      %add3A_587 = arith.addf %scan3A_32, %select_n3A_586 : vector<16xf32>
      %add3A_588 = arith.constant 16 : i32
      %add3A_589 = vector.broadcast %add3A_588 : i32 to vector<16xi32>
      %add3A_590 = arith.addi %add3A_589, %iota3A : vector<16xi32>
      %get3A_591 = arith.constant 16 : index
      %get3A_592 = tpu.vector_load %arg9[%get3A_591] {strides = array<i32>} : memref<672xf32, #tpu.memory_space<vmem>>, vector<16xf32>,
      %get3A_593 = vector.shape_cast %get3A_592 : vector<16xf32> to vector<16xf32>
      %get3A_594 = arith.constant 16 : index
      %get3A_595 = tpu.vector_load %arg10[%get3A_594] {strides = array<i32>} : memref<672xf32, #tpu.memory_space<vmem>>, vector<16xf32>,
      %get3A_596 = vector.shape_cast %get3A_595 : vector<16xf32> to vector<16xf32>
      %sub3A_597 = arith.subf %get3A_593, %get3A_596 : vector<16xf32>
      %lt3A_598 = arith.cmpi slt, %add3A_590, %gather3A_53 : vector<16xi32>
      %mul3A_599 = arith.mulf %sub3A_597, %sub3A_597 : vector<16xf32>
      %jit3A_600 = arith.constant 0.000000e+00 : f32
      %broadcast_in_dim3A_601 = vector.broadcast %jit3A_600 : f32 to vector<16xf32>
      %select_n3A_602 = arith.select %lt3A_598, %mul3A_599, %broadcast_in_dim3A_601 : vector<16xi1>, vector<16xf32>
      %add3A_603 = arith.addf %add3A_587, %select_n3A_602 : vector<16xf32>
      %add3A_604 = arith.constant 32 : i32
      %add3A_605 = vector.broadcast %add3A_604 : i32 to vector<16xi32>
      %add3A_606 = arith.addi %add3A_605, %iota3A : vector<16xi32>
      %get3A_607 = arith.constant 32 : index
      %get3A_608 = tpu.vector_load %arg9[%get3A_607] {strides = array<i32>} : memref<672xf32, #tpu.memory_space<vmem>>, vector<16xf32>,
      %get3A_609 = vector.shape_cast %get3A_608 : vector<16xf32> to vector<16xf32>
      %get3A_610 = arith.constant 32 : index
      %get3A_611 = tpu.vector_load %arg10[%get3A_610] {strides = array<i32>} : memref<672xf32, #tpu.memory_space<vmem>>, vector<16xf32>,
      %get3A_612 = vector.shape_cast %get3A_611 : vector<16xf32> to vector<16xf32>
      %sub3A_613 = arith.subf %get3A_609, %get3A_612 : vector<16xf32>
      %lt3A_614 = arith.cmpi slt, %add3A_606, %gather3A_53 : vector<16xi32>
      %mul3A_615 = arith.mulf %sub3A_613, %sub3A_613 : vector<16xf32>
      %jit3A_616 = arith.constant 0.000000e+00 : f32
      %broadcast_in_dim3A_617 = vector.broadcast %jit3A_616 : f32 to vector<16xf32>
      %select_n3A_618 = arith.select %lt3A_614, %mul3A_615, %broadcast_in_dim3A_617 : vector<16xi1>, vector<16xf32>
      %add3A_619 = arith.addf %add3A_603, %select_n3A_618 : vector<16xf32>
      %add3A_620 = arith.constant 48 : i32
      %add3A_621 = vector.broadcast %add3A_620 : i32 to vector<16xi32>
      %add3A_622 = arith.addi %add3A_621, %iota3A : vector<16xi32>
      %get3A_623 = arith.constant 48 : index
      %get3A_624 = tpu.vector_load %arg9[%get3A_623] {strides = array<i32>} : memref<672xf32, #tpu.memory_space<vmem>>, vector<16xf32>,
      %get3A_625 = vector.shape_cast %get3A_624 : vector<16xf32> to vector<16xf32>
      %get3A_626 = arith.constant 48 : index
      %get3A_627 = tpu.vector_load %arg10[%get3A_626] {strides = array<i32>} : memref<672xf32, #tpu.memory_space<vmem>>, vector<16xf32>,
      %get3A_628 = vector.shape_cast %get3A_627 : vector<16xf32> to vector<16xf32>
      %sub3A_629 = arith.subf %get3A_625, %get3A_628 : vector<16xf32>
      %lt3A_630 = arith.cmpi slt, %add3A_622, %gather3A_53 : vector<16xi32>
      %mul3A_631 = arith.mulf %sub3A_629, %sub3A_629 : vector<16xf32>
      %jit3A_632 = arith.constant 0.000000e+00 : f32
      %broadcast_in_dim3A_633 = vector.broadcast %jit3A_632 : f32 to vector<16xf32>
      %select_n3A_634 = arith.select %lt3A_630, %mul3A_631, %broadcast_in_dim3A_633 : vector<16xi1>, vector<16xf32>
      %add3A_635 = arith.addf %add3A_619, %select_n3A_634 : vector<16xf32>
      %add3A_636 = arith.constant 64 : i32
      %add3A_637 = vector.broadcast %add3A_636 : i32 to vector<16xi32>
      %add3A_638 = arith.addi %add3A_637, %iota3A : vector<16xi32>
      %get3A_639 = arith.constant 64 : index
      %get3A_640 = tpu.vector_load %arg9[%get3A_639] {strides = array<i32>} : memref<672xf32, #tpu.memory_space<vmem>>, vector<16xf32>,
      %get3A_641 = vector.shape_cast %get3A_640 : vector<16xf32> to vector<16xf32>
      %get3A_642 = arith.constant 64 : index
      %get3A_643 = tpu.vector_load %arg10[%get3A_642] {strides = array<i32>} : memref<672xf32, #tpu.memory_space<vmem>>, vector<16xf32>,
      %get3A_644 = vector.shape_cast %get3A_643 : vector<16xf32> to vector<16xf32>
      %sub3A_645 = arith.subf %get3A_641, %get3A_644 : vector<16xf32>
      %lt3A_646 = arith.cmpi slt, %add3A_638, %gather3A_53 : vector<16xi32>
      %mul3A_647 = arith.mulf %sub3A_645, %sub3A_645 : vector<16xf32>
      %jit3A_648 = arith.constant 0.000000e+00 : f32
      %broadcast_in_dim3A_649 = vector.broadcast %jit3A_648 : f32 to vector<16xf32>
      %select_n3A_650 = arith.select %lt3A_646, %mul3A_647, %broadcast_in_dim3A_649 : vector<16xi1>, vector<16xf32>
      %add3A_651 = arith.addf %add3A_635, %select_n3A_650 : vector<16xf32>
      %add3A_652 = arith.constant 80 : i32
      %add3A_653 = vector.broadcast %add3A_652 : i32 to vector<16xi32>
      %add3A_654 = arith.addi %add3A_653, %iota3A : vector<16xi32>
      %get3A_655 = arith.constant 80 : index
      %get3A_656 = tpu.vector_load %arg9[%get3A_655] {strides = array<i32>} : memref<672xf32, #tpu.memory_space<vmem>>, vector<16xf32>,
      %get3A_657 = vector.shape_cast %get3A_656 : vector<16xf32> to vector<16xf32>
      %get3A_658 = arith.constant 80 : index
      %get3A_659 = tpu.vector_load %arg10[%get3A_658] {strides = array<i32>} : memref<672xf32, #tpu.memory_space<vmem>>, vector<16xf32>,
      %get3A_660 = vector.shape_cast %get3A_659 : vector<16xf32> to vector<16xf32>
      %sub3A_661 = arith.subf %get3A_657, %get3A_660 : vector<16xf32>
      %lt3A_662 = arith.cmpi slt, %add3A_654, %gather3A_53 : vector<16xi32>
      %mul3A_663 = arith.mulf %sub3A_661, %sub3A_661 : vector<16xf32>
      %jit3A_664 = arith.constant 0.000000e+00 : f32
      %broadcast_in_dim3A_665 = vector.broadcast %jit3A_664 : f32 to vector<16xf32>
      %select_n3A_666 = arith.select %lt3A_662, %mul3A_663, %broadcast_in_dim3A_665 : vector<16xi1>, vector<16xf32>
      %add3A_667 = arith.addf %add3A_651, %select_n3A_666 : vector<16xf32>
      %add3A_668 = arith.constant 96 : i32
      %add3A_669 = vector.broadcast %add3A_668 : i32 to vector<16xi32>
      %add3A_670 = arith.addi %add3A_669, %iota3A : vector<16xi32>
      %get3A_671 = arith.constant 96 : index
      %get3A_672 = tpu.vector_load %arg9[%get3A_671] {strides = array<i32>} : memref<672xf32, #tpu.memory_space<vmem>>, vector<16xf32>,
      %get3A_673 = vector.shape_cast %get3A_672 : vector<16xf32> to vector<16xf32>
      %get3A_674 = arith.constant 96 : index
      %get3A_675 = tpu.vector_load %arg10[%get3A_674] {strides = array<i32>} : memref<672xf32, #tpu.memory_space<vmem>>, vector<16xf32>,
      %get3A_676 = vector.shape_cast %get3A_675 : vector<16xf32> to vector<16xf32>
      %sub3A_677 = arith.subf %get3A_673, %get3A_676 : vector<16xf32>
      %lt3A_678 = arith.cmpi slt, %add3A_670, %gather3A_53 : vector<16xi32>
      %mul3A_679 = arith.mulf %sub3A_677, %sub3A_677 : vector<16xf32>
      %jit3A_680 = arith.constant 0.000000e+00 : f32
      %broadcast_in_dim3A_681 = vector.broadcast %jit3A_680 : f32 to vector<16xf32>
      %select_n3A_682 = arith.select %lt3A_678, %mul3A_679, %broadcast_in_dim3A_681 : vector<16xi1>, vector<16xf32>
      %add3A_683 = arith.addf %add3A_667, %select_n3A_682 : vector<16xf32>
      %add3A_684 = arith.constant 112 : i32
      %add3A_685 = vector.broadcast %add3A_684 : i32 to vector<16xi32>
      %add3A_686 = arith.addi %add3A_685, %iota3A : vector<16xi32>
      %get3A_687 = arith.constant 112 : index
      %get3A_688 = tpu.vector_load %arg9[%get3A_687] {strides = array<i32>} : memref<672xf32, #tpu.memory_space<vmem>>, vector<16xf32>,
      %get3A_689 = vector.shape_cast %get3A_688 : vector<16xf32> to vector<16xf32>
      %get3A_690 = arith.constant 112 : index
      %get3A_691 = tpu.vector_load %arg10[%get3A_690] {strides = array<i32>} : memref<672xf32, #tpu.memory_space<vmem>>, vector<16xf32>,
      %get3A_692 = vector.shape_cast %get3A_691 : vector<16xf32> to vector<16xf32>
      %sub3A_693 = arith.subf %get3A_689, %get3A_692 : vector<16xf32>
      %lt3A_694 = arith.cmpi slt, %add3A_686, %gather3A_53 : vector<16xi32>
      %mul3A_695 = arith.mulf %sub3A_693, %sub3A_693 : vector<16xf32>
      %jit3A_696 = arith.constant 0.000000e+00 : f32
      %broadcast_in_dim3A_697 = vector.broadcast %jit3A_696 : f32 to vector<16xf32>
      %select_n3A_698 = arith.select %lt3A_694, %mul3A_695, %broadcast_in_dim3A_697 : vector<16xi1>, vector<16xf32>
      %add3A_699 = arith.addf %add3A_683, %select_n3A_698 : vector<16xf32>
      %add3A_700 = arith.constant 128 : i32
      %add3A_701 = vector.broadcast %add3A_700 : i32 to vector<16xi32>
      %add3A_702 = arith.addi %add3A_701, %iota3A : vector<16xi32>
      %get3A_703 = arith.constant 128 : index
      %get3A_704 = tpu.vector_load %arg9[%get3A_703] {strides = array<i32>} : memref<672xf32, #tpu.memory_space<vmem>>, vector<16xf32>,
      %get3A_705 = vector.shape_cast %get3A_704 : vector<16xf32> to vector<16xf32>
      %get3A_706 = arith.constant 128 : index
      %get3A_707 = tpu.vector_load %arg10[%get3A_706] {strides = array<i32>} : memref<672xf32, #tpu.memory_space<vmem>>, vector<16xf32>,
      %get3A_708 = vector.shape_cast %get3A_707 : vector<16xf32> to vector<16xf32>
      %sub3A_709 = arith.subf %get3A_705, %get3A_708 : vector<16xf32>
      %lt3A_710 = arith.cmpi slt, %add3A_702, %gather3A_53 : vector<16xi32>
      %mul3A_711 = arith.mulf %sub3A_709, %sub3A_709 : vector<16xf32>
      %jit3A_712 = arith.constant 0.000000e+00 : f32
      %broadcast_in_dim3A_713 = vector.broadcast %jit3A_712 : f32 to vector<16xf32>
      %select_n3A_714 = arith.select %lt3A_710, %mul3A_711, %broadcast_in_dim3A_713 : vector<16xi1>, vector<16xf32>
      %add3A_715 = arith.addf %add3A_699, %select_n3A_714 : vector<16xf32>
      %add3A_716 = arith.constant 144 : i32
      %add3A_717 = vector.broadcast %add3A_716 : i32 to vector<16xi32>
      %add3A_718 = arith.addi %add3A_717, %iota3A : vector<16xi32>
      %get3A_719 = arith.constant 144 : index
      %get3A_720 = tpu.vector_load %arg9[%get3A_719] {strides = array<i32>} : memref<672xf32, #tpu.memory_space<vmem>>, vector<16xf32>,
      %get3A_721 = vector.shape_cast %get3A_720 : vector<16xf32> to vector<16xf32>
      %get3A_722 = arith.constant 144 : index
      %get3A_723 = tpu.vector_load %arg10[%get3A_722] {strides = array<i32>} : memref<672xf32, #tpu.memory_space<vmem>>, vector<16xf32>,
      %get3A_724 = vector.shape_cast %get3A_723 : vector<16xf32> to vector<16xf32>
      %sub3A_725 = arith.subf %get3A_721, %get3A_724 : vector<16xf32>
      %lt3A_726 = arith.cmpi slt, %add3A_718, %gather3A_53 : vector<16xi32>
      %mul3A_727 = arith.mulf %sub3A_725, %sub3A_725 : vector<16xf32>
      %jit3A_728 = arith.constant 0.000000e+00 : f32
      %broadcast_in_dim3A_729 = vector.broadcast %jit3A_728 : f32 to vector<16xf32>
      %select_n3A_730 = arith.select %lt3A_726, %mul3A_727, %broadcast_in_dim3A_729 : vector<16xi1>, vector<16xf32>
      %add3A_731 = arith.addf %add3A_715, %select_n3A_730 : vector<16xf32>
      %add3A_732 = arith.constant 160 : i32
      %add3A_733 = vector.broadcast %add3A_732 : i32 to vector<16xi32>
      %add3A_734 = arith.addi %add3A_733, %iota3A : vector<16xi32>
      %get3A_735 = arith.constant 160 : index
      %get3A_736 = tpu.vector_load %arg9[%get3A_735] {strides = array<i32>} : memref<672xf32, #tpu.memory_space<vmem>>, vector<16xf32>,
      %get3A_737 = vector.shape_cast %get3A_736 : vector<16xf32> to vector<16xf32>
      %get3A_738 = arith.constant 160 : index
      %get3A_739 = tpu.vector_load %arg10[%get3A_738] {strides = array<i32>} : memref<672xf32, #tpu.memory_space<vmem>>, vector<16xf32>,
      %get3A_740 = vector.shape_cast %get3A_739 : vector<16xf32> to vector<16xf32>
      %sub3A_741 = arith.subf %get3A_737, %get3A_740 : vector<16xf32>
      %lt3A_742 = arith.cmpi slt, %add3A_734, %gather3A_53 : vector<16xi32>
      %mul3A_743 = arith.mulf %sub3A_741, %sub3A_741 : vector<16xf32>
      %jit3A_744 = arith.constant 0.000000e+00 : f32
      %broadcast_in_dim3A_745 = vector.broadcast %jit3A_744 : f32 to vector<16xf32>
      %select_n3A_746 = arith.select %lt3A_742, %mul3A_743, %broadcast_in_dim3A_745 : vector<16xi1>, vector<16xf32>
      %add3A_747 = arith.addf %add3A_731, %select_n3A_746 : vector<16xf32>
      %add3A_748 = arith.constant 176 : i32
      %add3A_749 = vector.broadcast %add3A_748 : i32 to vector<16xi32>
      %add3A_750 = arith.addi %add3A_749, %iota3A : vector<16xi32>
      %get3A_751 = arith.constant 176 : index
      %get3A_752 = tpu.vector_load %arg9[%get3A_751] {strides = array<i32>} : memref<672xf32, #tpu.memory_space<vmem>>, vector<16xf32>,
      %get3A_753 = vector.shape_cast %get3A_752 : vector<16xf32> to vector<16xf32>
      %get3A_754 = arith.constant 176 : index
      %get3A_755 = tpu.vector_load %arg10[%get3A_754] {strides = array<i32>} : memref<672xf32, #tpu.memory_space<vmem>>, vector<16xf32>,
      %get3A_756 = vector.shape_cast %get3A_755 : vector<16xf32> to vector<16xf32>
      %sub3A_757 = arith.subf %get3A_753, %get3A_756 : vector<16xf32>
      %lt3A_758 = arith.cmpi slt, %add3A_750, %gather3A_53 : vector<16xi32>
      %mul3A_759 = arith.mulf %sub3A_757, %sub3A_757 : vector<16xf32>
      %jit3A_760 = arith.constant 0.000000e+00 : f32
      %broadcast_in_dim3A_761 = vector.broadcast %jit3A_760 : f32 to vector<16xf32>
      %select_n3A_762 = arith.select %lt3A_758, %mul3A_759, %broadcast_in_dim3A_761 : vector<16xi1>, vector<16xf32>
      %add3A_763 = arith.addf %add3A_747, %select_n3A_762 : vector<16xf32>
      %add3A_764 = arith.constant 192 : i32
      %add3A_765 = vector.broadcast %add3A_764 : i32 to vector<16xi32>
      %add3A_766 = arith.addi %add3A_765, %iota3A : vector<16xi32>
      %get3A_767 = arith.constant 192 : index
      %get3A_768 = tpu.vector_load %arg9[%get3A_767] {strides = array<i32>} : memref<672xf32, #tpu.memory_space<vmem>>, vector<16xf32>,
      %get3A_769 = vector.shape_cast %get3A_768 : vector<16xf32> to vector<16xf32>
      %get3A_770 = arith.constant 192 : index
      %get3A_771 = tpu.vector_load %arg10[%get3A_770] {strides = array<i32>} : memref<672xf32, #tpu.memory_space<vmem>>, vector<16xf32>,
      %get3A_772 = vector.shape_cast %get3A_771 : vector<16xf32> to vector<16xf32>
      %sub3A_773 = arith.subf %get3A_769, %get3A_772 : vector<16xf32>
      %lt3A_774 = arith.cmpi slt, %add3A_766, %gather3A_53 : vector<16xi32>
      %mul3A_775 = arith.mulf %sub3A_773, %sub3A_773 : vector<16xf32>
      %jit3A_776 = arith.constant 0.000000e+00 : f32
      %broadcast_in_dim3A_777 = vector.broadcast %jit3A_776 : f32 to vector<16xf32>
      %select_n3A_778 = arith.select %lt3A_774, %mul3A_775, %broadcast_in_dim3A_777 : vector<16xi1>, vector<16xf32>
      %add3A_779 = arith.addf %add3A_763, %select_n3A_778 : vector<16xf32>
      %add3A_780 = arith.constant 208 : i32
      %add3A_781 = vector.broadcast %add3A_780 : i32 to vector<16xi32>
      %add3A_782 = arith.addi %add3A_781, %iota3A : vector<16xi32>
      %get3A_783 = arith.constant 208 : index
      %get3A_784 = tpu.vector_load %arg9[%get3A_783] {strides = array<i32>} : memref<672xf32, #tpu.memory_space<vmem>>, vector<16xf32>,
      %get3A_785 = vector.shape_cast %get3A_784 : vector<16xf32> to vector<16xf32>
      %get3A_786 = arith.constant 208 : index
      %get3A_787 = tpu.vector_load %arg10[%get3A_786] {strides = array<i32>} : memref<672xf32, #tpu.memory_space<vmem>>, vector<16xf32>,
      %get3A_788 = vector.shape_cast %get3A_787 : vector<16xf32> to vector<16xf32>
      %sub3A_789 = arith.subf %get3A_785, %get3A_788 : vector<16xf32>
      %lt3A_790 = arith.cmpi slt, %add3A_782, %gather3A_53 : vector<16xi32>
      %mul3A_791 = arith.mulf %sub3A_789, %sub3A_789 : vector<16xf32>
      %jit3A_792 = arith.constant 0.000000e+00 : f32
      %broadcast_in_dim3A_793 = vector.broadcast %jit3A_792 : f32 to vector<16xf32>
      %select_n3A_794 = arith.select %lt3A_790, %mul3A_791, %broadcast_in_dim3A_793 : vector<16xi1>, vector<16xf32>
      %add3A_795 = arith.addf %add3A_779, %select_n3A_794 : vector<16xf32>
      %add3A_796 = arith.constant 224 : i32
      %add3A_797 = vector.broadcast %add3A_796 : i32 to vector<16xi32>
      %add3A_798 = arith.addi %add3A_797, %iota3A : vector<16xi32>
      %get3A_799 = arith.constant 224 : index
      %get3A_800 = tpu.vector_load %arg9[%get3A_799] {strides = array<i32>} : memref<672xf32, #tpu.memory_space<vmem>>, vector<16xf32>,
      %get3A_801 = vector.shape_cast %get3A_800 : vector<16xf32> to vector<16xf32>
      %get3A_802 = arith.constant 224 : index
      %get3A_803 = tpu.vector_load %arg10[%get3A_802] {strides = array<i32>} : memref<672xf32, #tpu.memory_space<vmem>>, vector<16xf32>,
      %get3A_804 = vector.shape_cast %get3A_803 : vector<16xf32> to vector<16xf32>
      %sub3A_805 = arith.subf %get3A_801, %get3A_804 : vector<16xf32>
      %lt3A_806 = arith.cmpi slt, %add3A_798, %gather3A_53 : vector<16xi32>
      %mul3A_807 = arith.mulf %sub3A_805, %sub3A_805 : vector<16xf32>
      %jit3A_808 = arith.constant 0.000000e+00 : f32
      %broadcast_in_dim3A_809 = vector.broadcast %jit3A_808 : f32 to vector<16xf32>
      %select_n3A_810 = arith.select %lt3A_806, %mul3A_807, %broadcast_in_dim3A_809 : vector<16xi1>, vector<16xf32>
      %add3A_811 = arith.addf %add3A_795, %select_n3A_810 : vector<16xf32>
      %add3A_812 = arith.constant 240 : i32
      %add3A_813 = vector.broadcast %add3A_812 : i32 to vector<16xi32>
      %add3A_814 = arith.addi %add3A_813, %iota3A : vector<16xi32>
      %get3A_815 = arith.constant 240 : index
      %get3A_816 = tpu.vector_load %arg9[%get3A_815] {strides = array<i32>} : memref<672xf32, #tpu.memory_space<vmem>>, vector<16xf32>,
      %get3A_817 = vector.shape_cast %get3A_816 : vector<16xf32> to vector<16xf32>
      %get3A_818 = arith.constant 240 : index
      %get3A_819 = tpu.vector_load %arg10[%get3A_818] {strides = array<i32>} : memref<672xf32, #tpu.memory_space<vmem>>, vector<16xf32>,
      %get3A_820 = vector.shape_cast %get3A_819 : vector<16xf32> to vector<16xf32>
      %sub3A_821 = arith.subf %get3A_817, %get3A_820 : vector<16xf32>
      %lt3A_822 = arith.cmpi slt, %add3A_814, %gather3A_53 : vector<16xi32>
      %mul3A_823 = arith.mulf %sub3A_821, %sub3A_821 : vector<16xf32>
      %jit3A_824 = arith.constant 0.000000e+00 : f32
      %broadcast_in_dim3A_825 = vector.broadcast %jit3A_824 : f32 to vector<16xf32>
      %select_n3A_826 = arith.select %lt3A_822, %mul3A_823, %broadcast_in_dim3A_825 : vector<16xi1>, vector<16xf32>
      %add3A_827 = arith.addf %add3A_811, %select_n3A_826 : vector<16xf32>
      %add3A_828 = arith.constant 256 : i32
      %add3A_829 = vector.broadcast %add3A_828 : i32 to vector<16xi32>
      %add3A_830 = arith.addi %add3A_829, %iota3A : vector<16xi32>
      %get3A_831 = arith.constant 256 : index
      %get3A_832 = tpu.vector_load %arg9[%get3A_831] {strides = array<i32>} : memref<672xf32, #tpu.memory_space<vmem>>, vector<16xf32>,
      %get3A_833 = vector.shape_cast %get3A_832 : vector<16xf32> to vector<16xf32>
      %get3A_834 = arith.constant 256 : index
      %get3A_835 = tpu.vector_load %arg10[%get3A_834] {strides = array<i32>} : memref<672xf32, #tpu.memory_space<vmem>>, vector<16xf32>,
      %get3A_836 = vector.shape_cast %get3A_835 : vector<16xf32> to vector<16xf32>
      %sub3A_837 = arith.subf %get3A_833, %get3A_836 : vector<16xf32>
      %lt3A_838 = arith.cmpi slt, %add3A_830, %gather3A_53 : vector<16xi32>
      %mul3A_839 = arith.mulf %sub3A_837, %sub3A_837 : vector<16xf32>
      %jit3A_840 = arith.constant 0.000000e+00 : f32
      %broadcast_in_dim3A_841 = vector.broadcast %jit3A_840 : f32 to vector<16xf32>
      %select_n3A_842 = arith.select %lt3A_838, %mul3A_839, %broadcast_in_dim3A_841 : vector<16xi1>, vector<16xf32>
      %add3A_843 = arith.addf %add3A_827, %select_n3A_842 : vector<16xf32>
      %add3A_844 = arith.constant 272 : i32
      %add3A_845 = vector.broadcast %add3A_844 : i32 to vector<16xi32>
      %add3A_846 = arith.addi %add3A_845, %iota3A : vector<16xi32>
      %get3A_847 = arith.constant 272 : index
      %get3A_848 = tpu.vector_load %arg9[%get3A_847] {strides = array<i32>} : memref<672xf32, #tpu.memory_space<vmem>>, vector<16xf32>,
      %get3A_849 = vector.shape_cast %get3A_848 : vector<16xf32> to vector<16xf32>
      %get3A_850 = arith.constant 272 : index
      %get3A_851 = tpu.vector_load %arg10[%get3A_850] {strides = array<i32>} : memref<672xf32, #tpu.memory_space<vmem>>, vector<16xf32>,
      %get3A_852 = vector.shape_cast %get3A_851 : vector<16xf32> to vector<16xf32>
      %sub3A_853 = arith.subf %get3A_849, %get3A_852 : vector<16xf32>
      %lt3A_854 = arith.cmpi slt, %add3A_846, %gather3A_53 : vector<16xi32>
      %mul3A_855 = arith.mulf %sub3A_853, %sub3A_853 : vector<16xf32>
      %jit3A_856 = arith.constant 0.000000e+00 : f32
      %broadcast_in_dim3A_857 = vector.broadcast %jit3A_856 : f32 to vector<16xf32>
      %select_n3A_858 = arith.select %lt3A_854, %mul3A_855, %broadcast_in_dim3A_857 : vector<16xi1>, vector<16xf32>
      %add3A_859 = arith.addf %add3A_843, %select_n3A_858 : vector<16xf32>
      %add3A_860 = arith.constant 288 : i32
      %add3A_861 = vector.broadcast %add3A_860 : i32 to vector<16xi32>
      %add3A_862 = arith.addi %add3A_861, %iota3A : vector<16xi32>
      %get3A_863 = arith.constant 288 : index
      %get3A_864 = tpu.vector_load %arg9[%get3A_863] {strides = array<i32>} : memref<672xf32, #tpu.memory_space<vmem>>, vector<16xf32>,
      %get3A_865 = vector.shape_cast %get3A_864 : vector<16xf32> to vector<16xf32>
      %get3A_866 = arith.constant 288 : index
      %get3A_867 = tpu.vector_load %arg10[%get3A_866] {strides = array<i32>} : memref<672xf32, #tpu.memory_space<vmem>>, vector<16xf32>,
      %get3A_868 = vector.shape_cast %get3A_867 : vector<16xf32> to vector<16xf32>
      %sub3A_869 = arith.subf %get3A_865, %get3A_868 : vector<16xf32>
      %lt3A_870 = arith.cmpi slt, %add3A_862, %gather3A_53 : vector<16xi32>
      %mul3A_871 = arith.mulf %sub3A_869, %sub3A_869 : vector<16xf32>
      %jit3A_872 = arith.constant 0.000000e+00 : f32
      %broadcast_in_dim3A_873 = vector.broadcast %jit3A_872 : f32 to vector<16xf32>
      %select_n3A_874 = arith.select %lt3A_870, %mul3A_871, %broadcast_in_dim3A_873 : vector<16xi1>, vector<16xf32>
      %add3A_875 = arith.addf %add3A_859, %select_n3A_874 : vector<16xf32>
      %add3A_876 = arith.constant 304 : i32
      %add3A_877 = vector.broadcast %add3A_876 : i32 to vector<16xi32>
      %add3A_878 = arith.addi %add3A_877, %iota3A : vector<16xi32>
      %get3A_879 = arith.constant 304 : index
      %get3A_880 = tpu.vector_load %arg9[%get3A_879] {strides = array<i32>} : memref<672xf32, #tpu.memory_space<vmem>>, vector<16xf32>,
      %get3A_881 = vector.shape_cast %get3A_880 : vector<16xf32> to vector<16xf32>
      %get3A_882 = arith.constant 304 : index
      %get3A_883 = tpu.vector_load %arg10[%get3A_882] {strides = array<i32>} : memref<672xf32, #tpu.memory_space<vmem>>, vector<16xf32>,
      %get3A_884 = vector.shape_cast %get3A_883 : vector<16xf32> to vector<16xf32>
      %sub3A_885 = arith.subf %get3A_881, %get3A_884 : vector<16xf32>
      %lt3A_886 = arith.cmpi slt, %add3A_878, %gather3A_53 : vector<16xi32>
      %mul3A_887 = arith.mulf %sub3A_885, %sub3A_885 : vector<16xf32>
      %jit3A_888 = arith.constant 0.000000e+00 : f32
      %broadcast_in_dim3A_889 = vector.broadcast %jit3A_888 : f32 to vector<16xf32>
      %select_n3A_890 = arith.select %lt3A_886, %mul3A_887, %broadcast_in_dim3A_889 : vector<16xi1>, vector<16xf32>
      %add3A_891 = arith.addf %add3A_875, %select_n3A_890 : vector<16xf32>
      %add3A_892 = arith.constant 320 : i32
      %add3A_893 = vector.broadcast %add3A_892 : i32 to vector<16xi32>
      %add3A_894 = arith.addi %add3A_893, %iota3A : vector<16xi32>
      %get3A_895 = arith.constant 320 : index
      %get3A_896 = tpu.vector_load %arg9[%get3A_895] {strides = array<i32>} : memref<672xf32, #tpu.memory_space<vmem>>, vector<16xf32>,
      %get3A_897 = vector.shape_cast %get3A_896 : vector<16xf32> to vector<16xf32>
      %get3A_898 = arith.constant 320 : index
      %get3A_899 = tpu.vector_load %arg10[%get3A_898] {strides = array<i32>} : memref<672xf32, #tpu.memory_space<vmem>>, vector<16xf32>,
      %get3A_900 = vector.shape_cast %get3A_899 : vector<16xf32> to vector<16xf32>
      %sub3A_901 = arith.subf %get3A_897, %get3A_900 : vector<16xf32>
      %lt3A_902 = arith.cmpi slt, %add3A_894, %gather3A_53 : vector<16xi32>
      %mul3A_903 = arith.mulf %sub3A_901, %sub3A_901 : vector<16xf32>
      %jit3A_904 = arith.constant 0.000000e+00 : f32
      %broadcast_in_dim3A_905 = vector.broadcast %jit3A_904 : f32 to vector<16xf32>
      %select_n3A_906 = arith.select %lt3A_902, %mul3A_903, %broadcast_in_dim3A_905 : vector<16xi1>, vector<16xf32>
      %add3A_907 = arith.addf %add3A_891, %select_n3A_906 : vector<16xf32>
      %add3A_908 = arith.constant 336 : i32
      %add3A_909 = vector.broadcast %add3A_908 : i32 to vector<16xi32>
      %add3A_910 = arith.addi %add3A_909, %iota3A : vector<16xi32>
      %get3A_911 = arith.constant 336 : index
      %get3A_912 = tpu.vector_load %arg9[%get3A_911] {strides = array<i32>} : memref<672xf32, #tpu.memory_space<vmem>>, vector<16xf32>,
      %get3A_913 = vector.shape_cast %get3A_912 : vector<16xf32> to vector<16xf32>
      %get3A_914 = arith.constant 336 : index
      %get3A_915 = tpu.vector_load %arg10[%get3A_914] {strides = array<i32>} : memref<672xf32, #tpu.memory_space<vmem>>, vector<16xf32>,
      %get3A_916 = vector.shape_cast %get3A_915 : vector<16xf32> to vector<16xf32>
      %sub3A_917 = arith.subf %get3A_913, %get3A_916 : vector<16xf32>
      %lt3A_918 = arith.cmpi slt, %add3A_910, %gather3A_53 : vector<16xi32>
      %mul3A_919 = arith.mulf %sub3A_917, %sub3A_917 : vector<16xf32>
      %jit3A_920 = arith.constant 0.000000e+00 : f32
      %broadcast_in_dim3A_921 = vector.broadcast %jit3A_920 : f32 to vector<16xf32>
      %select_n3A_922 = arith.select %lt3A_918, %mul3A_919, %broadcast_in_dim3A_921 : vector<16xi1>, vector<16xf32>
      %add3A_923 = arith.addf %add3A_907, %select_n3A_922 : vector<16xf32>
      %add3A_924 = arith.constant 352 : i32
      %add3A_925 = vector.broadcast %add3A_924 : i32 to vector<16xi32>
      %add3A_926 = arith.addi %add3A_925, %iota3A : vector<16xi32>
      %get3A_927 = arith.constant 352 : index
      %get3A_928 = tpu.vector_load %arg9[%get3A_927] {strides = array<i32>} : memref<672xf32, #tpu.memory_space<vmem>>, vector<16xf32>,
      %get3A_929 = vector.shape_cast %get3A_928 : vector<16xf32> to vector<16xf32>
      %get3A_930 = arith.constant 352 : index
      %get3A_931 = tpu.vector_load %arg10[%get3A_930] {strides = array<i32>} : memref<672xf32, #tpu.memory_space<vmem>>, vector<16xf32>,
      %get3A_932 = vector.shape_cast %get3A_931 : vector<16xf32> to vector<16xf32>
      %sub3A_933 = arith.subf %get3A_929, %get3A_932 : vector<16xf32>
      %lt3A_934 = arith.cmpi slt, %add3A_926, %gather3A_53 : vector<16xi32>
      %mul3A_935 = arith.mulf %sub3A_933, %sub3A_933 : vector<16xf32>
      %jit3A_936 = arith.constant 0.000000e+00 : f32
      %broadcast_in_dim3A_937 = vector.broadcast %jit3A_936 : f32 to vector<16xf32>
      %select_n3A_938 = arith.select %lt3A_934, %mul3A_935, %broadcast_in_dim3A_937 : vector<16xi1>, vector<16xf32>
      %add3A_939 = arith.addf %add3A_923, %select_n3A_938 : vector<16xf32>
      %add3A_940 = arith.constant 368 : i32
      %add3A_941 = vector.broadcast %add3A_940 : i32 to vector<16xi32>
      %add3A_942 = arith.addi %add3A_941, %iota3A : vector<16xi32>
      %get3A_943 = arith.constant 368 : index
      %get3A_944 = tpu.vector_load %arg9[%get3A_943] {strides = array<i32>} : memref<672xf32, #tpu.memory_space<vmem>>, vector<16xf32>,
      %get3A_945 = vector.shape_cast %get3A_944 : vector<16xf32> to vector<16xf32>
      %get3A_946 = arith.constant 368 : index
      %get3A_947 = tpu.vector_load %arg10[%get3A_946] {strides = array<i32>} : memref<672xf32, #tpu.memory_space<vmem>>, vector<16xf32>,
      %get3A_948 = vector.shape_cast %get3A_947 : vector<16xf32> to vector<16xf32>
      %sub3A_949 = arith.subf %get3A_945, %get3A_948 : vector<16xf32>
      %lt3A_950 = arith.cmpi slt, %add3A_942, %gather3A_53 : vector<16xi32>
      %mul3A_951 = arith.mulf %sub3A_949, %sub3A_949 : vector<16xf32>
      %jit3A_952 = arith.constant 0.000000e+00 : f32
      %broadcast_in_dim3A_953 = vector.broadcast %jit3A_952 : f32 to vector<16xf32>
      %select_n3A_954 = arith.select %lt3A_950, %mul3A_951, %broadcast_in_dim3A_953 : vector<16xi1>, vector<16xf32>
      %add3A_955 = arith.addf %add3A_939, %select_n3A_954 : vector<16xf32>
      %add3A_956 = arith.constant 384 : i32
      %add3A_957 = vector.broadcast %add3A_956 : i32 to vector<16xi32>
      %add3A_958 = arith.addi %add3A_957, %iota3A : vector<16xi32>
      %get3A_959 = arith.constant 384 : index
      %get3A_960 = tpu.vector_load %arg9[%get3A_959] {strides = array<i32>} : memref<672xf32, #tpu.memory_space<vmem>>, vector<16xf32>,
      %get3A_961 = vector.shape_cast %get3A_960 : vector<16xf32> to vector<16xf32>
      %get3A_962 = arith.constant 384 : index
      %get3A_963 = tpu.vector_load %arg10[%get3A_962] {strides = array<i32>} : memref<672xf32, #tpu.memory_space<vmem>>, vector<16xf32>,
      %get3A_964 = vector.shape_cast %get3A_963 : vector<16xf32> to vector<16xf32>
      %sub3A_965 = arith.subf %get3A_961, %get3A_964 : vector<16xf32>
      %lt3A_966 = arith.cmpi slt, %add3A_958, %gather3A_53 : vector<16xi32>
      %mul3A_967 = arith.mulf %sub3A_965, %sub3A_965 : vector<16xf32>
      %jit3A_968 = arith.constant 0.000000e+00 : f32
      %broadcast_in_dim3A_969 = vector.broadcast %jit3A_968 : f32 to vector<16xf32>
      %select_n3A_970 = arith.select %lt3A_966, %mul3A_967, %broadcast_in_dim3A_969 : vector<16xi1>, vector<16xf32>
      %add3A_971 = arith.addf %add3A_955, %select_n3A_970 : vector<16xf32>
      %add3A_972 = arith.constant 400 : i32
      %add3A_973 = vector.broadcast %add3A_972 : i32 to vector<16xi32>
      %add3A_974 = arith.addi %add3A_973, %iota3A : vector<16xi32>
      %get3A_975 = arith.constant 400 : index
      %get3A_976 = tpu.vector_load %arg9[%get3A_975] {strides = array<i32>} : memref<672xf32, #tpu.memory_space<vmem>>, vector<16xf32>,
      %get3A_977 = vector.shape_cast %get3A_976 : vector<16xf32> to vector<16xf32>
      %get3A_978 = arith.constant 400 : index
      %get3A_979 = tpu.vector_load %arg10[%get3A_978] {strides = array<i32>} : memref<672xf32, #tpu.memory_space<vmem>>, vector<16xf32>,
      %get3A_980 = vector.shape_cast %get3A_979 : vector<16xf32> to vector<16xf32>
      %sub3A_981 = arith.subf %get3A_977, %get3A_980 : vector<16xf32>
      %lt3A_982 = arith.cmpi slt, %add3A_974, %gather3A_53 : vector<16xi32>
      %mul3A_983 = arith.mulf %sub3A_981, %sub3A_981 : vector<16xf32>
      %jit3A_984 = arith.constant 0.000000e+00 : f32
      %broadcast_in_dim3A_985 = vector.broadcast %jit3A_984 : f32 to vector<16xf32>
      %select_n3A_986 = arith.select %lt3A_982, %mul3A_983, %broadcast_in_dim3A_985 : vector<16xi1>, vector<16xf32>
      %add3A_987 = arith.addf %add3A_971, %select_n3A_986 : vector<16xf32>
      %add3A_988 = arith.constant 416 : i32
      %add3A_989 = vector.broadcast %add3A_988 : i32 to vector<16xi32>
      %add3A_990 = arith.addi %add3A_989, %iota3A : vector<16xi32>
      %get3A_991 = arith.constant 416 : index
      %get3A_992 = tpu.vector_load %arg9[%get3A_991] {strides = array<i32>} : memref<672xf32, #tpu.memory_space<vmem>>, vector<16xf32>,
      %get3A_993 = vector.shape_cast %get3A_992 : vector<16xf32> to vector<16xf32>
      %get3A_994 = arith.constant 416 : index
      %get3A_995 = tpu.vector_load %arg10[%get3A_994] {strides = array<i32>} : memref<672xf32, #tpu.memory_space<vmem>>, vector<16xf32>,
      %get3A_996 = vector.shape_cast %get3A_995 : vector<16xf32> to vector<16xf32>
      %sub3A_997 = arith.subf %get3A_993, %get3A_996 : vector<16xf32>
      %lt3A_998 = arith.cmpi slt, %add3A_990, %gather3A_53 : vector<16xi32>
      %mul3A_999 = arith.mulf %sub3A_997, %sub3A_997 : vector<16xf32>
      %jit3A_1000 = arith.constant 0.000000e+00 : f32
      %broadcast_in_dim3A_1001 = vector.broadcast %jit3A_1000 : f32 to vector<16xf32>
      %select_n3A_1002 = arith.select %lt3A_998, %mul3A_999, %broadcast_in_dim3A_1001 : vector<16xi1>, vector<16xf32>
      %add3A_1003 = arith.addf %add3A_987, %select_n3A_1002 : vector<16xf32>
      %add3A_1004 = arith.constant 432 : i32
      %add3A_1005 = vector.broadcast %add3A_1004 : i32 to vector<16xi32>
      %add3A_1006 = arith.addi %add3A_1005, %iota3A : vector<16xi32>
      %get3A_1007 = arith.constant 432 : index
      %get3A_1008 = tpu.vector_load %arg9[%get3A_1007] {strides = array<i32>} : memref<672xf32, #tpu.memory_space<vmem>>, vector<16xf32>,
      %get3A_1009 = vector.shape_cast %get3A_1008 : vector<16xf32> to vector<16xf32>
      %get3A_1010 = arith.constant 432 : index
      %get3A_1011 = tpu.vector_load %arg10[%get3A_1010] {strides = array<i32>} : memref<672xf32, #tpu.memory_space<vmem>>, vector<16xf32>,
      %get3A_1012 = vector.shape_cast %get3A_1011 : vector<16xf32> to vector<16xf32>
      %sub3A_1013 = arith.subf %get3A_1009, %get3A_1012 : vector<16xf32>
      %lt3A_1014 = arith.cmpi slt, %add3A_1006, %gather3A_53 : vector<16xi32>
      %mul3A_1015 = arith.mulf %sub3A_1013, %sub3A_1013 : vector<16xf32>
      %jit3A_1016 = arith.constant 0.000000e+00 : f32
      %broadcast_in_dim3A_1017 = vector.broadcast %jit3A_1016 : f32 to vector<16xf32>
      %select_n3A_1018 = arith.select %lt3A_1014, %mul3A_1015, %broadcast_in_dim3A_1017 : vector<16xi1>, vector<16xf32>
      %add3A_1019 = arith.addf %add3A_1003, %select_n3A_1018 : vector<16xf32>
      %add3A_1020 = arith.constant 448 : i32
      %add3A_1021 = vector.broadcast %add3A_1020 : i32 to vector<16xi32>
      %add3A_1022 = arith.addi %add3A_1021, %iota3A : vector<16xi32>
      %get3A_1023 = arith.constant 448 : index
      %get3A_1024 = tpu.vector_load %arg9[%get3A_1023] {strides = array<i32>} : memref<672xf32, #tpu.memory_space<vmem>>, vector<16xf32>,
      %get3A_1025 = vector.shape_cast %get3A_1024 : vector<16xf32> to vector<16xf32>
      %get3A_1026 = arith.constant 448 : index
      %get3A_1027 = tpu.vector_load %arg10[%get3A_1026] {strides = array<i32>} : memref<672xf32, #tpu.memory_space<vmem>>, vector<16xf32>,
      %get3A_1028 = vector.shape_cast %get3A_1027 : vector<16xf32> to vector<16xf32>
      %sub3A_1029 = arith.subf %get3A_1025, %get3A_1028 : vector<16xf32>
      %lt3A_1030 = arith.cmpi slt, %add3A_1022, %gather3A_53 : vector<16xi32>
      %mul3A_1031 = arith.mulf %sub3A_1029, %sub3A_1029 : vector<16xf32>
      %jit3A_1032 = arith.constant 0.000000e+00 : f32
      %broadcast_in_dim3A_1033 = vector.broadcast %jit3A_1032 : f32 to vector<16xf32>
      %select_n3A_1034 = arith.select %lt3A_1030, %mul3A_1031, %broadcast_in_dim3A_1033 : vector<16xi1>, vector<16xf32>
      %add3A_1035 = arith.addf %add3A_1019, %select_n3A_1034 : vector<16xf32>
      %add3A_1036 = arith.constant 464 : i32
      %add3A_1037 = vector.broadcast %add3A_1036 : i32 to vector<16xi32>
      %add3A_1038 = arith.addi %add3A_1037, %iota3A : vector<16xi32>
      %get3A_1039 = arith.constant 464 : index
      %get3A_1040 = tpu.vector_load %arg9[%get3A_1039] {strides = array<i32>} : memref<672xf32, #tpu.memory_space<vmem>>, vector<16xf32>,
      %get3A_1041 = vector.shape_cast %get3A_1040 : vector<16xf32> to vector<16xf32>
      %get3A_1042 = arith.constant 464 : index
      %get3A_1043 = tpu.vector_load %arg10[%get3A_1042] {strides = array<i32>} : memref<672xf32, #tpu.memory_space<vmem>>, vector<16xf32>,
      %get3A_1044 = vector.shape_cast %get3A_1043 : vector<16xf32> to vector<16xf32>
      %sub3A_1045 = arith.subf %get3A_1041, %get3A_1044 : vector<16xf32>
      %lt3A_1046 = arith.cmpi slt, %add3A_1038, %gather3A_53 : vector<16xi32>
      %mul3A_1047 = arith.mulf %sub3A_1045, %sub3A_1045 : vector<16xf32>
      %jit3A_1048 = arith.constant 0.000000e+00 : f32
      %broadcast_in_dim3A_1049 = vector.broadcast %jit3A_1048 : f32 to vector<16xf32>
      %select_n3A_1050 = arith.select %lt3A_1046, %mul3A_1047, %broadcast_in_dim3A_1049 : vector<16xi1>, vector<16xf32>
      %add3A_1051 = arith.addf %add3A_1035, %select_n3A_1050 : vector<16xf32>
      %add3A_1052 = arith.constant 480 : i32
      %add3A_1053 = vector.broadcast %add3A_1052 : i32 to vector<16xi32>
      %add3A_1054 = arith.addi %add3A_1053, %iota3A : vector<16xi32>
      %get3A_1055 = arith.constant 480 : index
      %get3A_1056 = tpu.vector_load %arg9[%get3A_1055] {strides = array<i32>} : memref<672xf32, #tpu.memory_space<vmem>>, vector<16xf32>,
      %get3A_1057 = vector.shape_cast %get3A_1056 : vector<16xf32> to vector<16xf32>
      %get3A_1058 = arith.constant 480 : index
      %get3A_1059 = tpu.vector_load %arg10[%get3A_1058] {strides = array<i32>} : memref<672xf32, #tpu.memory_space<vmem>>, vector<16xf32>,
      %get3A_1060 = vector.shape_cast %get3A_1059 : vector<16xf32> to vector<16xf32>
      %sub3A_1061 = arith.subf %get3A_1057, %get3A_1060 : vector<16xf32>
      %lt3A_1062 = arith.cmpi slt, %add3A_1054, %gather3A_53 : vector<16xi32>
      %mul3A_1063 = arith.mulf %sub3A_1061, %sub3A_1061 : vector<16xf32>
      %jit3A_1064 = arith.constant 0.000000e+00 : f32
      %broadcast_in_dim3A_1065 = vector.broadcast %jit3A_1064 : f32 to vector<16xf32>
      %select_n3A_1066 = arith.select %lt3A_1062, %mul3A_1063, %broadcast_in_dim3A_1065 : vector<16xi1>, vector<16xf32>
      %add3A_1067 = arith.addf %add3A_1051, %select_n3A_1066 : vector<16xf32>
      %add3A_1068 = arith.constant 496 : i32
      %add3A_1069 = vector.broadcast %add3A_1068 : i32 to vector<16xi32>
      %add3A_1070 = arith.addi %add3A_1069, %iota3A : vector<16xi32>
      %get3A_1071 = arith.constant 496 : index
      %get3A_1072 = tpu.vector_load %arg9[%get3A_1071] {strides = array<i32>} : memref<672xf32, #tpu.memory_space<vmem>>, vector<16xf32>,
      %get3A_1073 = vector.shape_cast %get3A_1072 : vector<16xf32> to vector<16xf32>
      %get3A_1074 = arith.constant 496 : index
      %get3A_1075 = tpu.vector_load %arg10[%get3A_1074] {strides = array<i32>} : memref<672xf32, #tpu.memory_space<vmem>>, vector<16xf32>,
      %get3A_1076 = vector.shape_cast %get3A_1075 : vector<16xf32> to vector<16xf32>
      %sub3A_1077 = arith.subf %get3A_1073, %get3A_1076 : vector<16xf32>
      %lt3A_1078 = arith.cmpi slt, %add3A_1070, %gather3A_53 : vector<16xi32>
      %mul3A_1079 = arith.mulf %sub3A_1077, %sub3A_1077 : vector<16xf32>
      %jit3A_1080 = arith.constant 0.000000e+00 : f32
      %broadcast_in_dim3A_1081 = vector.broadcast %jit3A_1080 : f32 to vector<16xf32>
      %select_n3A_1082 = arith.select %lt3A_1078, %mul3A_1079, %broadcast_in_dim3A_1081 : vector<16xi1>, vector<16xf32>
      %add3A_1083 = arith.addf %add3A_1067, %select_n3A_1082 : vector<16xf32>
      %add3A_1084 = arith.constant 512 : i32
      %add3A_1085 = vector.broadcast %add3A_1084 : i32 to vector<16xi32>
      %add3A_1086 = arith.addi %add3A_1085, %iota3A : vector<16xi32>
      %get3A_1087 = arith.constant 512 : index
      %get3A_1088 = tpu.vector_load %arg9[%get3A_1087] {strides = array<i32>} : memref<672xf32, #tpu.memory_space<vmem>>, vector<16xf32>,
      %get3A_1089 = vector.shape_cast %get3A_1088 : vector<16xf32> to vector<16xf32>
      %get3A_1090 = arith.constant 512 : index
      %get3A_1091 = tpu.vector_load %arg10[%get3A_1090] {strides = array<i32>} : memref<672xf32, #tpu.memory_space<vmem>>, vector<16xf32>,
      %get3A_1092 = vector.shape_cast %get3A_1091 : vector<16xf32> to vector<16xf32>
      %sub3A_1093 = arith.subf %get3A_1089, %get3A_1092 : vector<16xf32>
      %lt3A_1094 = arith.cmpi slt, %add3A_1086, %gather3A_53 : vector<16xi32>
      %mul3A_1095 = arith.mulf %sub3A_1093, %sub3A_1093 : vector<16xf32>
      %jit3A_1096 = arith.constant 0.000000e+00 : f32
      %broadcast_in_dim3A_1097 = vector.broadcast %jit3A_1096 : f32 to vector<16xf32>
      %select_n3A_1098 = arith.select %lt3A_1094, %mul3A_1095, %broadcast_in_dim3A_1097 : vector<16xi1>, vector<16xf32>
      %add3A_1099 = arith.addf %add3A_1083, %select_n3A_1098 : vector<16xf32>
      %add3A_1100 = arith.constant 528 : i32
      %add3A_1101 = vector.broadcast %add3A_1100 : i32 to vector<16xi32>
      %add3A_1102 = arith.addi %add3A_1101, %iota3A : vector<16xi32>
      %get3A_1103 = arith.constant 528 : index
      %get3A_1104 = tpu.vector_load %arg9[%get3A_1103] {strides = array<i32>} : memref<672xf32, #tpu.memory_space<vmem>>, vector<16xf32>,
      %get3A_1105 = vector.shape_cast %get3A_1104 : vector<16xf32> to vector<16xf32>
      %get3A_1106 = arith.constant 528 : index
      %get3A_1107 = tpu.vector_load %arg10[%get3A_1106] {strides = array<i32>} : memref<672xf32, #tpu.memory_space<vmem>>, vector<16xf32>,
      %get3A_1108 = vector.shape_cast %get3A_1107 : vector<16xf32> to vector<16xf32>
      %sub3A_1109 = arith.subf %get3A_1105, %get3A_1108 : vector<16xf32>
      %lt3A_1110 = arith.cmpi slt, %add3A_1102, %gather3A_53 : vector<16xi32>
      %mul3A_1111 = arith.mulf %sub3A_1109, %sub3A_1109 : vector<16xf32>
      %jit3A_1112 = arith.constant 0.000000e+00 : f32
      %broadcast_in_dim3A_1113 = vector.broadcast %jit3A_1112 : f32 to vector<16xf32>
      %select_n3A_1114 = arith.select %lt3A_1110, %mul3A_1111, %broadcast_in_dim3A_1113 : vector<16xi1>, vector<16xf32>
      %add3A_1115 = arith.addf %add3A_1099, %select_n3A_1114 : vector<16xf32>
      %add3A_1116 = arith.constant 544 : i32
      %add3A_1117 = vector.broadcast %add3A_1116 : i32 to vector<16xi32>
      %add3A_1118 = arith.addi %add3A_1117, %iota3A : vector<16xi32>
      %get3A_1119 = arith.constant 544 : index
      %get3A_1120 = tpu.vector_load %arg9[%get3A_1119] {strides = array<i32>} : memref<672xf32, #tpu.memory_space<vmem>>, vector<16xf32>,
      %get3A_1121 = vector.shape_cast %get3A_1120 : vector<16xf32> to vector<16xf32>
      %get3A_1122 = arith.constant 544 : index
      %get3A_1123 = tpu.vector_load %arg10[%get3A_1122] {strides = array<i32>} : memref<672xf32, #tpu.memory_space<vmem>>, vector<16xf32>,
      %get3A_1124 = vector.shape_cast %get3A_1123 : vector<16xf32> to vector<16xf32>
      %sub3A_1125 = arith.subf %get3A_1121, %get3A_1124 : vector<16xf32>
      %lt3A_1126 = arith.cmpi slt, %add3A_1118, %gather3A_53 : vector<16xi32>
      %mul3A_1127 = arith.mulf %sub3A_1125, %sub3A_1125 : vector<16xf32>
      %jit3A_1128 = arith.constant 0.000000e+00 : f32
      %broadcast_in_dim3A_1129 = vector.broadcast %jit3A_1128 : f32 to vector<16xf32>
      %select_n3A_1130 = arith.select %lt3A_1126, %mul3A_1127, %broadcast_in_dim3A_1129 : vector<16xi1>, vector<16xf32>
      %add3A_1131 = arith.addf %add3A_1115, %select_n3A_1130 : vector<16xf32>
      %add3A_1132 = arith.constant 560 : i32
      %add3A_1133 = vector.broadcast %add3A_1132 : i32 to vector<16xi32>
      %add3A_1134 = arith.addi %add3A_1133, %iota3A : vector<16xi32>
      %get3A_1135 = arith.constant 560 : index
      %get3A_1136 = tpu.vector_load %arg9[%get3A_1135] {strides = array<i32>} : memref<672xf32, #tpu.memory_space<vmem>>, vector<16xf32>,
      %get3A_1137 = vector.shape_cast %get3A_1136 : vector<16xf32> to vector<16xf32>
      %get3A_1138 = arith.constant 560 : index
      %get3A_1139 = tpu.vector_load %arg10[%get3A_1138] {strides = array<i32>} : memref<672xf32, #tpu.memory_space<vmem>>, vector<16xf32>,
      %get3A_1140 = vector.shape_cast %get3A_1139 : vector<16xf32> to vector<16xf32>
      %sub3A_1141 = arith.subf %get3A_1137, %get3A_1140 : vector<16xf32>
      %lt3A_1142 = arith.cmpi slt, %add3A_1134, %gather3A_53 : vector<16xi32>
      %mul3A_1143 = arith.mulf %sub3A_1141, %sub3A_1141 : vector<16xf32>
      %jit3A_1144 = arith.constant 0.000000e+00 : f32
      %broadcast_in_dim3A_1145 = vector.broadcast %jit3A_1144 : f32 to vector<16xf32>
      %select_n3A_1146 = arith.select %lt3A_1142, %mul3A_1143, %broadcast_in_dim3A_1145 : vector<16xi1>, vector<16xf32>
      %add3A_1147 = arith.addf %add3A_1131, %select_n3A_1146 : vector<16xf32>
      %add3A_1148 = arith.constant 576 : i32
      %add3A_1149 = vector.broadcast %add3A_1148 : i32 to vector<16xi32>
      %add3A_1150 = arith.addi %add3A_1149, %iota3A : vector<16xi32>
      %get3A_1151 = arith.constant 576 : index
      %get3A_1152 = tpu.vector_load %arg9[%get3A_1151] {strides = array<i32>} : memref<672xf32, #tpu.memory_space<vmem>>, vector<16xf32>,
      %get3A_1153 = vector.shape_cast %get3A_1152 : vector<16xf32> to vector<16xf32>
      %get3A_1154 = arith.constant 576 : index
      %get3A_1155 = tpu.vector_load %arg10[%get3A_1154] {strides = array<i32>} : memref<672xf32, #tpu.memory_space<vmem>>, vector<16xf32>,
      %get3A_1156 = vector.shape_cast %get3A_1155 : vector<16xf32> to vector<16xf32>
      %sub3A_1157 = arith.subf %get3A_1153, %get3A_1156 : vector<16xf32>
      %lt3A_1158 = arith.cmpi slt, %add3A_1150, %gather3A_53 : vector<16xi32>
      %mul3A_1159 = arith.mulf %sub3A_1157, %sub3A_1157 : vector<16xf32>
      %jit3A_1160 = arith.constant 0.000000e+00 : f32
      %broadcast_in_dim3A_1161 = vector.broadcast %jit3A_1160 : f32 to vector<16xf32>
      %select_n3A_1162 = arith.select %lt3A_1158, %mul3A_1159, %broadcast_in_dim3A_1161 : vector<16xi1>, vector<16xf32>
      %add3A_1163 = arith.addf %add3A_1147, %select_n3A_1162 : vector<16xf32>
      %add3A_1164 = arith.constant 592 : i32
      %add3A_1165 = vector.broadcast %add3A_1164 : i32 to vector<16xi32>
      %add3A_1166 = arith.addi %add3A_1165, %iota3A : vector<16xi32>
      %get3A_1167 = arith.constant 592 : index
      %get3A_1168 = tpu.vector_load %arg9[%get3A_1167] {strides = array<i32>} : memref<672xf32, #tpu.memory_space<vmem>>, vector<16xf32>,
      %get3A_1169 = vector.shape_cast %get3A_1168 : vector<16xf32> to vector<16xf32>
      %get3A_1170 = arith.constant 592 : index
      %get3A_1171 = tpu.vector_load %arg10[%get3A_1170] {strides = array<i32>} : memref<672xf32, #tpu.memory_space<vmem>>, vector<16xf32>,
      %get3A_1172 = vector.shape_cast %get3A_1171 : vector<16xf32> to vector<16xf32>
      %sub3A_1173 = arith.subf %get3A_1169, %get3A_1172 : vector<16xf32>
      %lt3A_1174 = arith.cmpi slt, %add3A_1166, %gather3A_53 : vector<16xi32>
      %mul3A_1175 = arith.mulf %sub3A_1173, %sub3A_1173 : vector<16xf32>
      %jit3A_1176 = arith.constant 0.000000e+00 : f32
      %broadcast_in_dim3A_1177 = vector.broadcast %jit3A_1176 : f32 to vector<16xf32>
      %select_n3A_1178 = arith.select %lt3A_1174, %mul3A_1175, %broadcast_in_dim3A_1177 : vector<16xi1>, vector<16xf32>
      %add3A_1179 = arith.addf %add3A_1163, %select_n3A_1178 : vector<16xf32>
      %add3A_1180 = arith.constant 608 : i32
      %add3A_1181 = vector.broadcast %add3A_1180 : i32 to vector<16xi32>
      %add3A_1182 = arith.addi %add3A_1181, %iota3A : vector<16xi32>
      %get3A_1183 = arith.constant 608 : index
      %get3A_1184 = tpu.vector_load %arg9[%get3A_1183] {strides = array<i32>} : memref<672xf32, #tpu.memory_space<vmem>>, vector<16xf32>,
      %get3A_1185 = vector.shape_cast %get3A_1184 : vector<16xf32> to vector<16xf32>
      %get3A_1186 = arith.constant 608 : index
      %get3A_1187 = tpu.vector_load %arg10[%get3A_1186] {strides = array<i32>} : memref<672xf32, #tpu.memory_space<vmem>>, vector<16xf32>,
      %get3A_1188 = vector.shape_cast %get3A_1187 : vector<16xf32> to vector<16xf32>
      %sub3A_1189 = arith.subf %get3A_1185, %get3A_1188 : vector<16xf32>
      %lt3A_1190 = arith.cmpi slt, %add3A_1182, %gather3A_53 : vector<16xi32>
      %mul3A_1191 = arith.mulf %sub3A_1189, %sub3A_1189 : vector<16xf32>
      %jit3A_1192 = arith.constant 0.000000e+00 : f32
      %broadcast_in_dim3A_1193 = vector.broadcast %jit3A_1192 : f32 to vector<16xf32>
      %select_n3A_1194 = arith.select %lt3A_1190, %mul3A_1191, %broadcast_in_dim3A_1193 : vector<16xi1>, vector<16xf32>
      %add3A_1195 = arith.addf %add3A_1179, %select_n3A_1194 : vector<16xf32>
      %add3A_1196 = arith.constant 624 : i32
      %add3A_1197 = vector.broadcast %add3A_1196 : i32 to vector<16xi32>
      %add3A_1198 = arith.addi %add3A_1197, %iota3A : vector<16xi32>
      %get3A_1199 = arith.constant 624 : index
      %get3A_1200 = tpu.vector_load %arg9[%get3A_1199] {strides = array<i32>} : memref<672xf32, #tpu.memory_space<vmem>>, vector<16xf32>,
      %get3A_1201 = vector.shape_cast %get3A_1200 : vector<16xf32> to vector<16xf32>
      %get3A_1202 = arith.constant 624 : index
      %get3A_1203 = tpu.vector_load %arg10[%get3A_1202] {strides = array<i32>} : memref<672xf32, #tpu.memory_space<vmem>>, vector<16xf32>,
      %get3A_1204 = vector.shape_cast %get3A_1203 : vector<16xf32> to vector<16xf32>
      %sub3A_1205 = arith.subf %get3A_1201, %get3A_1204 : vector<16xf32>
      %lt3A_1206 = arith.cmpi slt, %add3A_1198, %gather3A_53 : vector<16xi32>
      %mul3A_1207 = arith.mulf %sub3A_1205, %sub3A_1205 : vector<16xf32>
      %jit3A_1208 = arith.constant 0.000000e+00 : f32
      %broadcast_in_dim3A_1209 = vector.broadcast %jit3A_1208 : f32 to vector<16xf32>
      %select_n3A_1210 = arith.select %lt3A_1206, %mul3A_1207, %broadcast_in_dim3A_1209 : vector<16xi1>, vector<16xf32>
      %add3A_1211 = arith.addf %add3A_1195, %select_n3A_1210 : vector<16xf32>
      %add3A_1212 = arith.constant 640 : i32
      %add3A_1213 = vector.broadcast %add3A_1212 : i32 to vector<16xi32>
      %add3A_1214 = arith.addi %add3A_1213, %iota3A : vector<16xi32>
      %get3A_1215 = arith.constant 640 : index
      %get3A_1216 = tpu.vector_load %arg9[%get3A_1215] {strides = array<i32>} : memref<672xf32, #tpu.memory_space<vmem>>, vector<16xf32>,
      %get3A_1217 = vector.shape_cast %get3A_1216 : vector<16xf32> to vector<16xf32>
      %get3A_1218 = arith.constant 640 : index
      %get3A_1219 = tpu.vector_load %arg10[%get3A_1218] {strides = array<i32>} : memref<672xf32, #tpu.memory_space<vmem>>, vector<16xf32>,
      %get3A_1220 = vector.shape_cast %get3A_1219 : vector<16xf32> to vector<16xf32>
      %sub3A_1221 = arith.subf %get3A_1217, %get3A_1220 : vector<16xf32>
      %lt3A_1222 = arith.cmpi slt, %add3A_1214, %gather3A_53 : vector<16xi32>
      %mul3A_1223 = arith.mulf %sub3A_1221, %sub3A_1221 : vector<16xf32>
      %jit3A_1224 = arith.constant 0.000000e+00 : f32
      %broadcast_in_dim3A_1225 = vector.broadcast %jit3A_1224 : f32 to vector<16xf32>
      %select_n3A_1226 = arith.select %lt3A_1222, %mul3A_1223, %broadcast_in_dim3A_1225 : vector<16xi1>, vector<16xf32>
      %add3A_1227 = arith.addf %add3A_1211, %select_n3A_1226 : vector<16xf32>
      %add3A_1228 = arith.constant 656 : i32
      %add3A_1229 = vector.broadcast %add3A_1228 : i32 to vector<16xi32>
      %add3A_1230 = arith.addi %add3A_1229, %iota3A : vector<16xi32>
      %get3A_1231 = arith.constant 656 : index
      %get3A_1232 = tpu.vector_load %arg9[%get3A_1231] {strides = array<i32>} : memref<672xf32, #tpu.memory_space<vmem>>, vector<16xf32>,
      %get3A_1233 = vector.shape_cast %get3A_1232 : vector<16xf32> to vector<16xf32>
      %get3A_1234 = arith.constant 656 : index
      %get3A_1235 = tpu.vector_load %arg10[%get3A_1234] {strides = array<i32>} : memref<672xf32, #tpu.memory_space<vmem>>, vector<16xf32>,
      %get3A_1236 = vector.shape_cast %get3A_1235 : vector<16xf32> to vector<16xf32>
      %sub3A_1237 = arith.subf %get3A_1233, %get3A_1236 : vector<16xf32>
      %lt3A_1238 = arith.cmpi slt, %add3A_1230, %gather3A_53 : vector<16xi32>
      %mul3A_1239 = arith.mulf %sub3A_1237, %sub3A_1237 : vector<16xf32>
      %jit3A_1240 = arith.constant 0.000000e+00 : f32
      %broadcast_in_dim3A_1241 = vector.broadcast %jit3A_1240 : f32 to vector<16xf32>
      %select_n3A_1242 = arith.select %lt3A_1238, %mul3A_1239, %broadcast_in_dim3A_1241 : vector<16xi1>, vector<16xf32>
      %add3A_1243 = arith.addf %add3A_1227, %select_n3A_1242 : vector<16xf32>
      scf.yield %add3A_1243 : vector<16xf32>
    }
    %scan3A_27 = arith.constant 16 : i32
    %swap3A = arith.constant 0 : index
    %swap3A_28 = tpu.vector_load %arg11[%swap3A] {strides = array<i32>} : memref<16xf32, #tpu.memory_space<vmem>>, vector<16xf32>,
    %swap3A_29 = vector.shape_cast %swap3A_28 : vector<16xf32> to vector<16xf32>
    %swap3A_30 = vector.shape_cast %scan3A_26 : vector<16xf32> to vector<16xf32>
    tpu.vector_store %arg11[%swap3A], %swap3A_30 {strides = array<i32>} : memref<16xf32, #tpu.memory_space<vmem>>, vector<16xf32>,
    "tpu.region"() ({
      %run_scoped3A = tpu.sem_alloc : memref<!tpu.dma_semaphore, #tpu.memory_space<semaphore_mem>>
      %dma_start3A = arith.constant 0 : i32
      %dma_start3A_31 = tpu.memref_slice %arg5[%add3A, %dma_start3A] : memref<32x16xf32, #tpu.memory_space<hbm>> -> memref<1x16xf32, #tpu.memory_space<hbm>>
      %dma_start3A_32 = tpu.memref_squeeze %dma_start3A_31 : memref<1x16xf32, #tpu.memory_space<hbm>> -> memref<16xf32, #tpu.memory_space<hbm>>
      %dma_start3A_33 = arith.constant 0 : i32
      %dma_start3A_34 = tpu.memref_slice %arg5[%add3A, %dma_start3A_33] : memref<32x16xf32, #tpu.memory_space<hbm>> -> memref<1x16xf32, #tpu.memory_space<hbm>>
      %dma_start3A_35 = tpu.memref_squeeze %dma_start3A_34 : memref<1x16xf32, #tpu.memory_space<hbm>> -> memref<16xf32, #tpu.memory_space<hbm>>
      tpu.enqueue_dma source(%arg11 : memref<16xf32, #tpu.memory_space<vmem>>) target(%dma_start3A_35 : memref<16xf32, #tpu.memory_space<hbm>>) target_semaphore(%run_scoped3A : memref<!tpu.dma_semaphore, #tpu.memory_space<semaphore_mem>>)
      %dma_wait3A = arith.constant 0 : i32
      %dma_wait3A_36 = tpu.memref_slice %arg5[%add3A, %dma_wait3A] : memref<32x16xf32, #tpu.memory_space<hbm>> -> memref<1x16xf32, #tpu.memory_space<hbm>>
      %dma_wait3A_37 = tpu.memref_squeeze %dma_wait3A_36 : memref<1x16xf32, #tpu.memory_space<hbm>> -> memref<16xf32, #tpu.memory_space<hbm>>
      %dma_wait3A_38 = arith.constant 0 : i32
      %dma_wait3A_39 = tpu.memref_slice %arg5[%add3A, %dma_wait3A_38] : memref<32x16xf32, #tpu.memory_space<hbm>> -> memref<1x16xf32, #tpu.memory_space<hbm>>
      %dma_wait3A_40 = tpu.memref_squeeze %dma_wait3A_39 : memref<1x16xf32, #tpu.memory_space<hbm>> -> memref<16xf32, #tpu.memory_space<hbm>>
      tpu.wait_dma2 semaphore(%run_scoped3A : memref<!tpu.dma_semaphore, #tpu.memory_space<semaphore_mem>>) src(%arg11 : memref<16xf32, #tpu.memory_space<vmem>>) dst(%dma_wait3A_40 : memref<16xf32, #tpu.memory_space<hbm>>)
      tpu.yield
    }) : () -> ()
    return
  }
}

module attributes {stable_mosaic.version = 14 : i64} {
  func.func @_tc_body(%arg0: i32, %arg1: memref<8192x128xf32, #tpu.memory_space<vmem>>, %arg2: memref<8192x128xf32, #tpu.memory_space<vmem>>, %arg3: memref<1x1xf32, #tpu.memory_space<vmem>>) attributes {dimension_semantics = [#tpu.dimension_semantics<arbitrary>], iteration_bounds = array<i64: 8>, scalar_prefetch = 0 : i64, scratch_operands = 0 : i64, tpu.core_type = #tpu.core_type<tc>, window_params = [{transform_indices = @transform_0, window_bounds = array<i64: 8192, 128>}, {transform_indices = @transform_1, window_bounds = array<i64: 8192, 128>}, {pipeline_mode = #tpu.pipeline_mode<synchronous>, transform_indices = @transform_2, window_bounds = array<i64: 1, 1>}]} {
    %eq3A = arith.constant 0 : i32
    %eq3A_0 = arith.cmpi eq, %arg0, %eq3A : i32
    %convert_element_type3A = arith.extui %eq3A_0 : i1 to i32
    %cond3A = arith.constant 0 : i32
    %cond3A_1 = arith.cmpi ne, %convert_element_type3A, %cond3A : i32
    scf.if %cond3A_1 {
      %broadcast_in_dim3A = arith.constant 0.000000e+00 : f32
      %broadcast_in_dim3A_16 = vector.broadcast %broadcast_in_dim3A : f32 to vector<1x1xf32>
      %swap3A_17 = arith.constant 0 : index
      %swap3A_18 = arith.constant 0 : index
      %swap3A_19 = vector.load %arg3[%swap3A_17, %swap3A_18] : memref<1x1xf32, #tpu.memory_space<vmem>>, vector<1x1xf32>
      tpu.vector_store %arg3[%swap3A_17, %swap3A_18], %broadcast_in_dim3A_16 {strides = array<i32>} : memref<1x1xf32, #tpu.memory_space<vmem>>, vector<1x1xf32>,
    } else {
    }
    %get3A = arith.constant 0 : index
    %get3A_2 = arith.constant 0 : index
    %get3A_3 = vector.load %arg1[%get3A, %get3A_2] : memref<8192x128xf32, #tpu.memory_space<vmem>>, vector<8192x128xf32>
    %get3A_4 = arith.constant 0 : index
    %get3A_5 = arith.constant 0 : index
    %get3A_6 = vector.load %arg2[%get3A_4, %get3A_5] : memref<8192x128xf32, #tpu.memory_space<vmem>>, vector<8192x128xf32>
    %sub3A = arith.subf %get3A_3, %get3A_6 : vector<8192x128xf32>
    %get3A_7 = arith.constant 0 : index
    %get3A_8 = arith.constant 0 : index
    %get3A_9 = vector.load %arg3[%get3A_7, %get3A_8] : memref<1x1xf32, #tpu.memory_space<vmem>>, vector<1x1xf32>
    %mul3A = arith.mulf %sub3A, %sub3A : vector<8192x128xf32>
    %reduce_sum3A = vector.shape_cast %mul3A : vector<8192x128xf32> to vector<1x8192x128xf32>
    %reduce_sum3A_10 = arith.constant dense<0.000000e+00> : vector<1xf32>
    %reduce_sum3A_11 = vector.multi_reduction <add>, %reduce_sum3A, %reduce_sum3A_10 [1, 2] : vector<1x8192x128xf32> to vector<1xf32>
    %reduce_sum3A_12 = vector.shape_cast %reduce_sum3A_11 : vector<1xf32> to vector<1x1x1xf32>
    %reduce_sum3A_13 = vector.extract %reduce_sum3A_12[0, 0, 0] : f32 from vector<1x1x1xf32>
    %reshape3A = vector.broadcast %reduce_sum3A_13 : f32 to vector<1x1xf32>
    %add3A = arith.addf %get3A_9, %reshape3A : vector<1x1xf32>
    %swap3A = arith.constant 0 : index
    %swap3A_14 = arith.constant 0 : index
    %swap3A_15 = vector.load %arg3[%swap3A, %swap3A_14] : memref<1x1xf32, #tpu.memory_space<vmem>>, vector<1x1xf32>
    tpu.vector_store %arg3[%swap3A, %swap3A_14], %add3A {strides = array<i32>} : memref<1x1xf32, #tpu.memory_space<vmem>>, vector<1x1xf32>,
    return
  }
  func.func @transform_0(%arg0: i32) -> (i32, i32) {
    %c0_i32 = arith.constant 0 : i32
    %c0_i32_0 = arith.constant 0 : i32
    return %arg0, %c0_i32 : i32, i32
  }
  func.func @transform_1(%arg0: i32) -> (i32, i32) {
    %c0_i32 = arith.constant 0 : i32
    %c0_i32_0 = arith.constant 0 : i32
    return %arg0, %c0_i32 : i32, i32
  }
  func.func @transform_2(%arg0: i32) -> (i32, i32) {
    %c0_i32 = arith.constant 0 : i32
    %c0_i32_0 = arith.constant 0 : i32
    %c0_i32_1 = arith.constant 0 : i32
    return %c0_i32, %c0_i32_0 : i32, i32
  }
}

</mosaic_0001>

<sc_bundles>
// kernel: kernel.4.cloned.1.call-start
scs
__scs_entry_jumppad:
0x0: {  	(pc) =	sbr.rel $0x88, $3  }
0x1: {  	(tag) =	ssettag $0x0;
	lr =	simm.s32 $0x1  }
0x2: {  	[smem:$0x3F9E] =	sst lr;
	_ =	strace $0xD0000000  }
0x3: {  	_ = 	snop  }
0x4: {  	_ = 	snop  }
0x5: {  	_ = 	snop  }
0x6: {  	_ = 	snop  }
0x7: {  	_ = 	snop  }
__scs_overlays_trampoline_lowered:
0x8: {  	[smem:$0x3FAD] =	sst s0  }
0x9: {  	[smem:$0x3FAE] =	sst s1  }
0xa: {  	[smem:$0x3FAF] =	sst s2  }
0xb: {  	[smem:$0x3FB0] =	sst s3  }
0xc: {  	[smem:$0x3FB1] =	sst s4  }
0xd: {  	[smem:$0x3FB2] =	sst s5  }
0xe: {  	[smem:$0x3FB3] =	sst s6  }
0xf: {  	[smem:$0x3FB4] =	sst s7  }
0x10: {  	[smem:$0x3FB5] =	sst s8  }
0x11: {  	[smem:$0x3FB6] =	sst s9;
	s0 =	simm.s32 @!p0 $0x0  }
0x12: {  	s1 =	sld [smem:$0x3F9C];
	s0 =	simm.s32 @p0 $0x1  }
0x13: {  	[smem:$0x3FB7] =	sst s0;
	s0 =	simm.s32 @!p1 $0x0  }
0x14: {  	s2 =	sld [smem:$0x3F9B];
	s0 =	simm.s32 @p1 $0x1  }
0x15: {  	[smem:$0x3FB8] =	sst s0;
	s0 =	simm.s32 @!p2 $0x0  }
0x16: {  	s3 =	sld [smem:$0x3FDB];
	s0 =	simm.s32 @p2 $0x1  }
0x17: {  	s4 =	simm.s32 $0x1BF5;
	[smem:$0x3FBA] =	sst s0  }
0x18: {  	s0 =	sld [smem:$0x3F9D];
	_ =	swait.ge [sflag:s4], $0x0  }
0x19: {  	s7 =	sld [smem:$0x3F9E]  }
0x1a: {  	s8 =	sadd.s32 $0xFFFFE003, lr  }
0x1b: {  	s9 =	sadd.s32 $0xFFFFFEF7, lr;
	s5 =	simm.s32 $0xFFFFFFFF;
	p2 =	slt.u32 s8, $0xFFFFF086  }
0x1c: {  	p1 =	slt.u32 s9, $0xF7A;
	s5 =	simm.s32 @!p2 $0x0  }
0x1d: {  	s5 =	simm.s32 @p1 $0x1;
	p0 =	seq.s32 s7, s2  }
0x1e: {  	s7 =	smul.u32 @!p0 $0xF7A, s2;
	p2 =	seq.s32 @!p0 s5, $0x0  }
0x1f: {  	s9 =	smul.u32 $0xF7A, s1;
	s8 =	simm.s32 @!p0 $0x1BF5;
	p2 =	por !p2, p0  }
0x20: {  	[sflag:s8] =	ssyncset.s32 @!p0 $0xFFFFF086;
	s6 =	sadd.s32 @!p0 s3, s7;
	s7 =	simm.s32 @!p0 $0x108  }
0x21: {  	s3 =	sadd.s32 s3, s9;
	s6 =	sadd.s32 @!p0 $0x88, s6;
	s7 =	simm.s32 @p2 $0x1082  }
0x22: {  	[simem:s7], [sflag:s8] =	dma.local @!p0 [hbm:s6], $0xF7A  }
0x23: {  	s9 =	sor.u32 $0xD0000000, s2;
	s6 =	simm.s32 $0x108;
	_ =	swait.ge @!p0 [sflag:s8], $0x0  }
0x24: {  	s3 =	sadd.s32 $0x88, s3;
	s6 =	simm.s32 @!p1 $0x1082;
	[sflag:s4] =	ssyncset.s32 $0xFFFFF086  }
0x25: {  	[simem:s6], [sflag:s4] =	dma.local [hbm:s3], $0xF7A  }
0x26: {  	[smem:$0x3F9E] =	sst s1;
	(tag) =	ssettag s2;
	_ =	strace s9  }
0x27: {  	s1 =	sld [smem:$0x3FAE]  }
0x28: {  	s2 =	sld [smem:$0x3FAF]  }
0x29: {  	s4 =	sld [smem:$0x3FB1]  }
0x2a: {  	p0 =	seq.s32 s5, $0x0;
	s5 =	sld [smem:$0x3FB2]  }
0x2b: {  	s6 =	sld [smem:$0x3FB3]  }
0x2c: {  	s7 =	sld [smem:$0x3FB4]  }
0x2d: {  	s3 =	simm.s32 $0x108;
	s8 =	sld [smem:$0x3FB5]  }
0x2e: {  	s3 =	simm.s32 @!p0 $0x1082;
	s9 =	sld [smem:$0x3FB6]  }
0x2f: {  	lr =	sadd.s32 s0, s3;
	s0 =	sld [smem:$0x3FAD]  }
0x30: {  	s3 =	sld [smem:$0x3FB0]  }
0x31: {  	[smem:$0x3FB9] =	sst s10  }
0x32: {  	s10 =	sld [smem:$0x3FB7];
	_ =	sdelay $0x3  }
0x33: {  	p0 =	seq.s32 s10, $0x1;
	s10 =	sld [smem:$0x3FB9];
	_ =	sdelay $0x3  }
0x34: {  	[smem:$0x3FB9] =	sst s10  }
0x35: {  	s10 =	sld [smem:$0x3FB8];
	_ =	sdelay $0x3  }
0x36: {  	p1 =	seq.s32 s10, $0x1;
	s10 =	sld [smem:$0x3FB9];
	_ =	sdelay $0x3  }
0x37: {  	[smem:$0x3FB9] =	sst s10  }
0x38: {  	s10 =	sld [smem:$0x3FBA]  }
0x39: {  	_ = 	snop;
	(pc) =	sbr.ind lr, $3  }
0x3a: {  	_ = 	snop  }
0x3b: {  	_ = 	snop  }
0x3c: {  	p2 =	seq.s32 s10, $0x1;
	s10 =	sld [smem:$0x3FB9]  }
0x3d: {  	_ =	shalt  }
0x3e: {  	_ =	shalt  }
0x3f: {  	_ =	shalt  }
0x40: {  	_ =	shalt  }
0x41: {  	_ =	shalt  }
0x42: {  	_ =	shalt  }
0x43: {  	_ =	shalt  }
0x44: {  	_ =	shalt  }
0x45: {  	_ =	shalt  }
0x46: {  	_ =	shalt  }
0x47: {  	_ =	shalt  }
0x48: {  	_ =	shalt  }
0x49: {  	_ =	shalt  }
0x4a: {  	_ =	shalt  }
0x4b: {  	_ =	shalt  }
0x4c: {  	_ =	shalt  }
0x4d: {  	_ =	shalt  }
0x4e: {  	_ =	shalt  }
0x4f: {  	_ =	shalt  }
0x50: {  	_ =	shalt  }
0x51: {  	_ =	shalt  }
0x52: {  	_ =	shalt  }
0x53: {  	_ =	shalt  }
0x54: {  	_ =	shalt  }
0x55: {  	_ =	shalt  }
0x56: {  	_ =	shalt  }
0x57: {  	_ =	shalt  }
0x58: {  	_ =	shalt  }
0x59: {  	_ =	shalt  }
0x5a: {  	_ =	shalt  }
0x5b: {  	_ =	shalt  }
0x5c: {  	_ =	shalt  }
0x5d: {  	_ =	shalt  }
0x5e: {  	_ =	shalt  }
0x5f: {  	_ =	shalt  }
0x60: {  	_ =	shalt  }
0x61: {  	_ =	shalt  }
0x62: {  	_ =	shalt  }
0x63: {  	_ =	shalt  }
0x64: {  	_ =	shalt  }
0x65: {  	_ =	shalt  }
0x66: {  	_ =	shalt  }
0x67: {  	_ =	shalt  }
0x68: {  	_ =	shalt  }
0x69: {  	_ =	shalt  }
0x6a: {  	_ =	shalt  }
0x6b: {  	_ =	shalt  }
0x6c: {  	_ =	shalt  }
0x6d: {  	_ =	shalt  }
0x6e: {  	_ =	shalt  }
0x6f: {  	_ =	shalt  }
0x70: {  	_ =	shalt  }
0x71: {  	_ =	shalt  }
0x72: {  	_ =	shalt  }
0x73: {  	_ =	shalt  }
0x74: {  	_ =	shalt  }
0x75: {  	_ =	shalt  }
0x76: {  	_ =	shalt  }
0x77: {  	_ =	shalt  }
0x78: {  	_ =	shalt  }
0x79: {  	_ =	shalt  }
0x7a: {  	_ =	shalt  }
0x7b: {  	_ =	shalt  }
0x7c: {  	_ =	shalt  }
0x7d: {  	_ =	shalt  }
0x7e: {  	_ =	shalt  }
0x7f: {  	_ =	shalt  }
0x80: {  	_ =	shalt  }
0x81: {  	_ =	shalt  }
0x82: {  	_ =	shalt  }
0x83: {  	_ =	shalt  }
0x84: {  	_ =	shalt  }
0x85: {  	_ =	shalt  }
0x86: {  	_ =	shalt  }
0x87: {  	_ =	shalt  }
.Lfunc_end0:
.L_simem_size_0:
called_computation_lowered:
.L_overlay_start_0:
0x88: {  	s2 =	sld [smem:$0x3FD9]  }
0x89: {  	s3 =	sld [smem:$0x3FFE];
	_ =	sdelay $0x1  }
0x8a: {  	s1 =	srdreg.scid  }
0x8b: {  	s0 =	sand.u32 $0x1, s1  }
0x8c: {  	s17 =	sshll.u32 s0, $0xA;
	s2 =	sadd.s32 s3, s2  }
0x8d: {  	s2 =	sadd.s32 s2, s17  }
0x8e: {  	[smem:$0x3FC5] =	sst s2  }
0x8f: {  	_ = 	snop  }
0x90: {  	s2 =	sld [smem:$0x3FC9]  }
0x91: {  	s18 =	sld [smem:$0x3FC8]  }
0x92: {  	s4 =	sld [smem:$0x3FC7];
	(tm) =	ssettm $0x1  }
0x93: {  	s5 =	sld [smem:$0x3FFB];
	_ =	sdelay $0x3  }
0x94: {  	_ =	strace s5  }
0x95: {  	s5 =	sld [smem:$0x3FFC];
	_ =	sdelay $0x3  }
0x96: {  	_ =	strace s5  }
0x97: {  	s5 =	sld [smem:$0x3FFD];
	_ =	sdelay $0x3  }
0x98: {  	_ =	strace s5  }
0x99: {  	_ =	strace $0x8FFFFFFF  }
0x9a: {  	s19 =	sld [smem:$0x3FDB];
	_ =	sdelay $0x1  }
0x9b: {  	s6 =	simm.s32 $_scs_section_size  }
0x9c: {  	s7 =	simm.s32 $_size__tile_overlayer_lowered;
	s8 =	simm.s32 $_tile_overlayer_lowered  }
0x9d: {  	s22 =	simm.s32 $0x1BFF;
	s21 =	sshll.u32 s8, $0x1;
	s5 =	sadd.s32 s6, s19  }
0x9e: {  	s9 =	simm.s32 $0x0;
	s20 =	sshll.u32 s7, $0x1;
	s7 =	sadd.s32 s21, s5  }
0x9f: {  	[timem:s9], [sflag:s22] =	dma.local [hbm:s7], s20  }
0xa0: {  	_ =	swait.ge [sflag:s22], s20  }
0xa1: {  	s6 =	ssub.s32 $0x0, s20;
	[sflag:s22] =	ssyncset.done $0x0  }
0xa2: {  	[sflag:s22] =	ssyncadd.s32 s6;
	_ =	sdelay $0x1  }
0xa3: {  	s23 =	simm.s32 $0x1B8B  }
0xa4: {  	_ =	swait.ge [sflag:s23], $0x1  }
0xa5: {  	[sflag:s23] =	ssyncset.done $0x0  }
0xa6: {  	s25 =	simm.s32 $0x1B8E;
	s24 =	sld [smem:$0x3FFE];
	[sflag:s23] =	ssyncadd.s32 $0xFFFFFFFF  }
0xa7: {  	s26 =	simm.s32 $execute0_lowered;
	[smem:$0x3FD2] =	sst s25  }
0xa8: {  	s7 =	sshll.u32 s26, $0x1;
	_ =	strace $0x80000046;
	[dreg:$0x1] =	wrdreg $0xFFFFFFFF  }
0xa9: {  	s28 =	simm.s32 $_size_execute0_lowered;
	s5 =	sadd.s32 s5, s7;
	[dreg:$0x0] =	wrdreg $0x0  }
0xaa: {  	s7 =	sshll.u32 s28, $0x1;
	[dreg:$0x2] =	wrdreg s5  }
0xab: {  	[dreg:$0x3] =	wrdreg s7  }
0xac: {  	[dreg:$0x4] =	wrdreg $0xC0  }
0xad: {  	_ =	task [dreg:s9], $0x5FFFF  }
0xae: {  	[dreg:$0x1] =	wrdreg $0xFFFFFFFF  }
0xaf: {  	[dreg:$0x0] =	wrdreg $0x60  }
0xb0: {  	[dreg:$0x2] =	wrdreg s2  }
0xb1: {  	[dreg:$0x3] =	wrdreg s18  }
0xb2: {  	[dreg:$0x4] =	wrdreg s4  }
0xb3: {  	[dreg:$0x5] =	wrdreg s24  }
0xb4: {  	[dreg:$0x6] =	wrdreg $0x9  }
0xb5: {  	_ =	task.clear_ibuf [dreg:s9], $0x7FFFF;
	_ =	strace $0x90000046  }
0xb6: {  	s29 =	simm.s32 $0x9;
	_ =	strace $0x80000048  }
0xb7: {  	_ =	swait.ge [sflag:s29], $0x1  }
0xb8: {  	[sflag:s29] =	ssyncadd.s32 $0xFFFFFFFF  }
0xb9: {  	_ =	strace $0x90000048  }
0xba: {  	_ =	sfence  }
0xbb: {  	s30 =	sld [smem:$0x0];
	_ =	sdelay $0x2  }
0xbc: {  	s31 =	sshll.u32 s1, $0xD;
	s1 =	sshrl.u32 s1, $0x2  }
0xbd: {  	s3 =	sand.u32 $0x4000, s31;
	s1 =	sadd.s32 s1, s30  }
0xbe: {  	s0 =	sor.u32 s3, s0;
	s1 =	sshll.u32 s1, $0x11  }
0xbf: {  	s0 =	sor.u32 s1, s0  }
0xc0: {  	s0 =	sadd.s32 $0x8F2B, s0  }
0xc1: {  	[sflag:s0] =	ssyncadd.remote.s32 $0x1  }
0xc2: {  	_ =	sfence.sel $0xFFFF  }
0xc3: {  	[dreg:$0x0] =	wrdreg $0xFFFFFFFF;
	(pc) =	sbr.abs _section_cstart, $3  }
0xc4: {  	[dreg:$0x1] =	wrdreg $0xFFFFFFFF  }
0xc5: {  	_ =	task.clear_ibuf [dreg:s9], $0x2FFFF;
	_ =	strace $0x9FFFFFFF  }
0xc6: {  	(tm) =	ssettm $0x7FFFFFFF  }
0xc7: {  	_ =	shalt  }
tec
execute0_lowered:
.L_overlay_start_1:
0x0: {  	(tag) =	ssettag $0x1  }
0x1: {  	v0 =	vlaneseq.u32  }
0x2: {  	s0 =	srdreg.scid;
	v2 =	vadd.s32 $0x1, v0;
	v3 =	vor.u32 $0x10, v0  }
0x3: {  	s1 =	stileid.u32;
	s3 =	rddreg [dreg:$0x2];
	v4 =	vor.u32 $0x20, v0;
	v5 =	vor.u32 $0x30, v0;
	v6 =	vor.u32 $0x40, v0  }
0x4: {  	s6 =	rddreg [dreg:$0x3];
	s5 =	simm.s32 $0x0;
	s8 =	simm.s32 $0x20;
	v7 =	vor.u32 $0x50, v0;
	v8 =	vor.u32 $0x60, v0;
	v9 =	vor.u32 $0x70, v0  }
0x5: {  	s9 =	simm.s32 $0x80;
	s10 =	simm.s32 $0x1;
	s11 =	simm.s32 $0x100;
	v10 =	vor.u32 $0x80, v0;
	v11 =	vor.u32 $0x90, v0;
	v12 =	vor.u32 $0xA0, v0  }
0x6: {  	s12 =	simm.s32 $0x400;
	s13 =	simm.s32 $0x700;
	s14 =	simm.s32 $0x180;
	v13 =	vor.u32 $0xB0, v0;
	v14 =	vor.u32 $0xC0, v0;
	v15 =	vor.u32 $0xD0, v0  }
0x7: {  	s15 =	simm.s32 $0x480;
	s16 =	simm.s32 $0x780;
	s17 =	simm.s32 $0x200;
	v16 =	vor.u32 $0xE0, v0;
	v17 =	vor.u32 $0xF0, v0;
	v18 =	vor.u32 $0x100, v0  }
0x8: {  	s18 =	simm.s32 $0x500;
	s19 =	simm.s32 $0x800;
	s20 =	simm.s32 $0x280;
	v19 =	vor.u32 $0x110, v0;
	v20 =	vor.u32 $0x120, v0;
	v21 =	vor.u32 $0x130, v0  }
0x9: {  	s21 =	simm.s32 $0x580;
	s22 =	simm.s32 $0x880;
	s23 =	simm.s32 $0x300;
	v22 =	vor.u32 $0x140, v0;
	v23 =	vor.u32 $0x150, v0;
	v24 =	vor.u32 $0x160, v0  }
0xa: {  	s24 =	simm.s32 $0x600;
	s25 =	simm.s32 $0x900;
	s26 =	simm.s32 $0x380;
	v25 =	vor.u32 $0x170, v0;
	v26 =	vor.u32 $0x180, v0;
	v27 =	vor.u32 $0x190, v0  }
0xb: {  	s28 =	simm.s32 $0x680;
	s29 =	simm.s32 $0x980;
	s30 =	simm.s32 $0xA00;
	v28 =	vor.u32 $0x1A0, v0;
	v29 =	vor.u32 $0x1B0, v0;
	v30 =	vor.u32 $0x1C0, v0  }
0xc: {  	s31 =	simm.s32 $0x2;
	s0 =	sand.u32 $0x1, s0;
	s1 =	sshll.u32 s1, $0x5;
	v31 =	vor.u32 $0x1D0, v0;
	v32 =	vor.u32 $0x1E0, v0;
	v33 =	vor.u32 $0x1F0, v0  }
0xd: {  	[smem:$0x7FF] =	sst s5;
	v34 =	vor.u32 $0x200, v0;
	v35 =	vor.u32 $0x210, v0;
	v36 =	vor.u32 $0x220, v0;
	s2 =	sshll.u32 s0, $0x4;
	s0 =	ssub.s32 $0x2, s0  }
0xe: {  	v37 =	vor.u32 $0x230, v0;
	v38 =	vor.u32 $0x240, v0;
	v39 =	vor.u32 $0x250, v0;
	s4 =	sor.u32 s2, s1;
	s1 =	rddreg [dreg:$0x0];
	s7 =	sshrl.u32 s0, $0x1  }
0xf: {  	v40 =	vor.u32 $0x260, v0;
	v41 =	vor.u32 $0x270, v0;
	v42 =	vor.u32 $0x280, v0;
	s2 =	rddreg [dreg:$0x1];
	_ =	strace $0x80000047;
	s0 =	ssub.s32 s0, s7  }
0x10: {  	v43 =	vor.u32 $0x290, v0;
	v1 =	vor.u32 s4, v0;
	v2 =	vadd.s32 s4, v2;
	s6 =	sadd.s32 s6, s4;
	s4 =	simm.s32 $0x0;
	s7 =	smax.u32 s0, $0x1  }
.LBB2_1:
0x11: {  	v44 =	vimm.s32 $0x0;
	v45 =	vimm.s32 $0x800000  }
0x12: {  	v46 =	vadd.s32 v44, v45  }
0x13: {  	v46 =	vshra.s32 v46, $0x1  }
0x14: {  	vm0 =	vlt.s32 v46, $0x7FFFFF  }
0x15: {  	v47 =	vnsel vm0, $0x7FFFFF, v46  }
0x16: {  	[tilespmem:$0x0] =	vst v47  }
0x17: {  	[tilespmem:$0x10] =	vst v47  }
0x18: {  	[tilespmem:s9], [sflag:$0x1] =	stream.indirect.gather [hbm4b:s1+s8], $0x1, s5, s8, $0xb8;
	[tilespmem:$0xA80] =	vst v63  }
0x19: {  	_ =	swait.ge [sflag:s10], $0x20  }
0x1a: {  	[sflag:s10] =	ssyncset.done $0x0  }
0x1b: {  	[sflag:s10] =	ssyncadd.s32 $0xFFFFFFE0  }
0x1c: {  	v63 =	vld [tilespmem:$0x90]  }
0x1d: {  	v52 =	vld [tilespmem:$0x80];
	_ =	sdelay $0x1  }
0x1e: {  	v49 =	vimm.s32 $0x800000;
	vm2 =	vlt.s32 v44, v45  }
0x1f: {  	v48 =	vadd.s32 $0x1, v46;
	v51 =	vadd.s32 $0x1, v46;
	vm0 =	vlt.s32 v44, v45  }
0x20: {  	s0 =	simm.s32 $0x17;
	v50 =	vmovc v46;
	v47 =	vimm.s32 $0x0;
	vm1 =	vge.s32 v63, v2;
	vm3 =	vlt.s32 v63, v2  }
.LBB2_2:
0x21: {  	p0 =	sne.s32 s0, $0x1;
	s0 =	sadd.s32 $0xFFFFFFFF, s0;
	vm4 =	vge.s32 v52, v1;
	vm5 =	vlt.s32 v52, v1;
	vm3 =	vmand vm2, vm3  }
0x22: {  	vm5 =	vmand vm0, vm5;
	vm0 =	vmand vm0, vm4;
	v44 =	vsel vm3, v51, v44  }
0x23: {  	v47 =	vsel vm5, v48, v47;
	v45 =	vsel vm0, v46, v45;
	vm0 =	vmand vm2, vm1  }
0x24: {  	v46 =	vadd.s32 v47, v45;
	v49 =	vsel vm0, v50, v49  }
0x25: {  	v46 =	vshra.s32 v46, $0x1;
	v48 =	vadd.s32 v44, v49  }
0x26: {  	v50 =	vshra.s32 v48, $0x1;
	vm0 =	vlt.s32 v46, $0x7FFFFF;
	v48 =	vadd.s32 $0x1, v46  }
0x27: {  	v52 =	vnsel vm0, $0x7FFFFF, v46;
	vm0 =	vlt.s32 v50, $0x7FFFFF;
	v51 =	vadd.s32 $0x1, v50  }
0x28: {  	[tilespmem:$0x0] =	vst v52;
	v52 =	vnsel vm0, $0x7FFFFF, v50  }
0x29: {  	[tilespmem:$0x10] =	vst v52  }
0x2a: {  	[tilespmem:s9], [sflag:$0x1] =	stream.indirect.gather [hbm4b:s1+s8], $0x1, s5, s8, $0xb8;
	[tilespmem:$0xA80] =	vst v63  }
0x2b: {  	_ =	swait.ge [sflag:s10], $0x20  }
0x2c: {  	[sflag:s10] =	ssyncset.done $0x0  }
0x2d: {  	[sflag:s10] =	ssyncadd.s32 $0xFFFFFFE0  }
0x2e: {  	v53 =	vld [tilespmem:$0x90]  }
.Ltmp0:
0x2f: {  	v52 =	vld [tilespmem:$0x80];
	(pc) =	sbr.rel @p0 .LBB2_2-.Ltmp0, $3  }
0x30: {  	_ =	sdelay $0x1  }
0x31: {  	vm0 =	vlt.s32 v47, v45  }
0x32: {  	vm2 =	vlt.s32 v44, v49;
	vm1 =	vge.s32 v53, v2;
	vm3 =	vlt.s32 v53, v2  }
0x33: {  	vm1 =	vlt.s32 v52, v1  }
0x34: {  	vm2 =	vmand vm2, vm3;
	vm0 =	vmand vm0, vm1  }
0x35: {  	v45 =	vsel vm2, v51, v44;
	v44 =	vsel vm0, v48, v47  }
0x36: {  	v45 =	vsub.s32 v45, v44  }
0x37: {  	vm15 =	vlt.s32 v45, $0x2A0  }
0x38: {  	s0 =	simm.s32 $0x0;
	v47 =	vimm.f32 $0.0e+00;
	v45 =	vnsel vm15, $0x2A0, v45  }
.LBB2_4:
0x39: {  	v46 =	vmov s0  }
0x3a: {  	v46 =	vand.u32 $0xF, v46  }
0x3b: {  	v46 =	vbroadcast v46, $0x0;
	_ =	sdelay $0x1  }
0x3c: {  	v48 =	vperm.xlane v44, v46;
	_ =	sdelay $0x1  }
0x3d: {  	v49 =	vadd.s32 v0, v48  }
0x3e: {  	v50 =	vadd.s32 v3, v48;
	vm0 =	vlt.s32 v49, $0x7FFFFF  }
0x3f: {  	v51 =	vadd.s32 v4, v48;
	vm5 =	vlt.s32 v50, $0x7FFFFF;
	v49 =	vnsel vm0, $0x7FFFFF, v49  }
0x40: {  	v63 =	vadd.s32 v5, v48;
	vm6 =	vlt.s32 v51, $0x7FFFFF;
	v62 =	vnsel vm5, $0x7FFFFF, v50;
	[tilespmem:$0x100] =	vst v49  }
0x41: {  	v55 =	vadd.s32 v6, v48;
	vm7 =	vlt.s32 v63, $0x7FFFFF;
	v54 =	vnsel vm6, $0x7FFFFF, v51;
	[tilespmem:$0x110] =	vst v62  }
0x42: {  	v57 =	vadd.s32 v7, v48;
	vm8 =	vlt.s32 v55, $0x7FFFFF;
	v56 =	vnsel vm7, $0x7FFFFF, v63;
	[tilespmem:$0x120] =	vst v54  }
0x43: {  	v59 =	vadd.s32 v8, v48;
	vm9 =	vlt.s32 v57, $0x7FFFFF;
	v58 =	vnsel vm8, $0x7FFFFF, v55;
	[tilespmem:$0x130] =	vst v56  }
0x44: {  	v61 =	vadd.s32 v9, v48;
	vm10 =	vlt.s32 v59, $0x7FFFFF;
	v60 =	vnsel vm9, $0x7FFFFF, v57;
	[tilespmem:$0x140] =	vst v58  }
0x45: {  	vm11 =	vlt.s32 v61, $0x7FFFFF;
	v63 =	vadd.s32 v10, v48;
	[tilespmem:$0x150] =	vst v60;
	v62 =	vnsel vm10, $0x7FFFFF, v59  }
0x46: {  	v55 =	vadd.s32 v11, v48;
	v54 =	vnsel vm11, $0x7FFFFF, v61;
	vm12 =	vlt.s32 v63, $0x7FFFFF;
	[tilespmem:$0x160] =	vst v62  }
0x47: {  	v57 =	vadd.s32 v12, v48;
	vm13 =	vlt.s32 v55, $0x7FFFFF;
	[tilespmem:$0x170] =	vst v54;
	v56 =	vnsel vm12, $0x7FFFFF, v63  }
0x48: {  	vm14 =	vlt.s32 v57, $0x7FFFFF;
	v59 =	vadd.s32 v13, v48;
	v58 =	vnsel vm13, $0x7FFFFF, v55;
	[tilespmem:$0x180] =	vst v56  }
0x49: {  	v61 =	vadd.s32 v14, v48;
	v60 =	vnsel vm14, $0x7FFFFF, v57;
	vm15 =	vlt.s32 v59, $0x7FFFFF;
	[tilespmem:$0x190] =	vst v58  }
0x4a: {  	vm4 =	vlt.s32 v61, $0x7FFFFF;
	v63 =	vadd.s32 v15, v48;
	[tilespmem:$0x1A0] =	vst v60;
	v62 =	vnsel vm15, $0x7FFFFF, v59  }
0x4b: {  	v55 =	vadd.s32 v16, v48;
	v54 =	vnsel vm4, $0x7FFFFF, v61;
	vm5 =	vlt.s32 v63, $0x7FFFFF;
	[tilespmem:$0x1B0] =	vst v62  }
0x4c: {  	v57 =	vadd.s32 v17, v48;
	vm6 =	vlt.s32 v55, $0x7FFFFF;
	[tilespmem:$0x1C0] =	vst v54;
	v56 =	vnsel vm5, $0x7FFFFF, v63  }
0x4d: {  	vm7 =	vlt.s32 v57, $0x7FFFFF;
	v59 =	vadd.s32 v18, v48;
	v58 =	vnsel vm6, $0x7FFFFF, v55;
	[tilespmem:$0x1D0] =	vst v56  }
0x4e: {  	v61 =	vadd.s32 v19, v48;
	v60 =	vnsel vm7, $0x7FFFFF, v57;
	vm8 =	vlt.s32 v59, $0x7FFFFF;
	[tilespmem:$0x1E0] =	vst v58  }
0x4f: {  	vm9 =	vlt.s32 v61, $0x7FFFFF;
	v63 =	vadd.s32 v20, v48;
	[tilespmem:$0x1F0] =	vst v60;
	v62 =	vnsel vm8, $0x7FFFFF, v59  }
0x50: {  	v55 =	vadd.s32 v21, v48;
	v54 =	vnsel vm9, $0x7FFFFF, v61;
	vm10 =	vlt.s32 v63, $0x7FFFFF;
	[tilespmem:$0x200] =	vst v62  }
0x51: {  	v57 =	vadd.s32 v22, v48;
	vm11 =	vlt.s32 v55, $0x7FFFFF;
	[tilespmem:$0x210] =	vst v54;
	v56 =	vnsel vm10, $0x7FFFFF, v63  }
0x52: {  	vm12 =	vlt.s32 v57, $0x7FFFFF;
	v59 =	vadd.s32 v23, v48;
	v58 =	vnsel vm11, $0x7FFFFF, v55;
	[tilespmem:$0x220] =	vst v56  }
0x53: {  	v61 =	vadd.s32 v24, v48;
	v60 =	vnsel vm12, $0x7FFFFF, v57;
	vm13 =	vlt.s32 v59, $0x7FFFFF;
	[tilespmem:$0x230] =	vst v58  }
0x54: {  	vm14 =	vlt.s32 v61, $0x7FFFFF;
	v63 =	vadd.s32 v25, v48;
	[tilespmem:$0x240] =	vst v60;
	v62 =	vnsel vm13, $0x7FFFFF, v59  }
0x55: {  	v55 =	vadd.s32 v26, v48;
	v54 =	vnsel vm14, $0x7FFFFF, v61;
	vm15 =	vlt.s32 v63, $0x7FFFFF;
	[tilespmem:$0x250] =	vst v62  }
0x56: {  	v57 =	vadd.s32 v27, v48;
	vm4 =	vlt.s32 v55, $0x7FFFFF;
	[tilespmem:$0x260] =	vst v54;
	v56 =	vnsel vm15, $0x7FFFFF, v63  }
0x57: {  	vm5 =	vlt.s32 v57, $0x7FFFFF;
	v59 =	vadd.s32 v28, v48;
	v58 =	vnsel vm4, $0x7FFFFF, v55;
	[tilespmem:$0x270] =	vst v56  }
0x58: {  	v61 =	vadd.s32 v29, v48;
	v60 =	vnsel vm5, $0x7FFFFF, v57;
	vm6 =	vlt.s32 v59, $0x7FFFFF;
	[tilespmem:$0x280] =	vst v58  }
0x59: {  	vm7 =	vlt.s32 v61, $0x7FFFFF;
	v63 =	vadd.s32 v30, v48;
	[tilespmem:$0x290] =	vst v60;
	v62 =	vnsel vm6, $0x7FFFFF, v59  }
0x5a: {  	v55 =	vadd.s32 v31, v48;
	v54 =	vnsel vm7, $0x7FFFFF, v61;
	vm8 =	vlt.s32 v63, $0x7FFFFF;
	[tilespmem:$0x2A0] =	vst v62  }
0x5b: {  	v57 =	vadd.s32 v32, v48;
	vm9 =	vlt.s32 v55, $0x7FFFFF;
	[tilespmem:$0x2B0] =	vst v54;
	v56 =	vnsel vm8, $0x7FFFFF, v63  }
0x5c: {  	vm10 =	vlt.s32 v57, $0x7FFFFF;
	v59 =	vadd.s32 v33, v48;
	v58 =	vnsel vm9, $0x7FFFFF, v55;
	[tilespmem:$0x2C0] =	vst v56  }
0x5d: {  	v61 =	vadd.s32 v34, v48;
	v60 =	vnsel vm10, $0x7FFFFF, v57;
	vm11 =	vlt.s32 v59, $0x7FFFFF;
	[tilespmem:$0x2D0] =	vst v58  }
0x5e: {  	vm12 =	vlt.s32 v61, $0x7FFFFF;
	v63 =	vadd.s32 v35, v48;
	[tilespmem:$0x2E0] =	vst v60;
	v62 =	vnsel vm11, $0x7FFFFF, v59  }
0x5f: {  	v55 =	vadd.s32 v36, v48;
	v54 =	vnsel vm12, $0x7FFFFF, v61;
	vm13 =	vlt.s32 v63, $0x7FFFFF;
	[tilespmem:$0x2F0] =	vst v62  }
0x60: {  	v57 =	vadd.s32 v37, v48;
	vm14 =	vlt.s32 v55, $0x7FFFFF;
	[tilespmem:$0x300] =	vst v54;
	v56 =	vnsel vm13, $0x7FFFFF, v63  }
0x61: {  	vm15 =	vlt.s32 v57, $0x7FFFFF;
	v59 =	vadd.s32 v38, v48;
	v58 =	vnsel vm14, $0x7FFFFF, v55;
	[tilespmem:$0x310] =	vst v56  }
0x62: {  	v61 =	vadd.s32 v39, v48;
	v60 =	vnsel vm15, $0x7FFFFF, v57;
	vm4 =	vlt.s32 v59, $0x7FFFFF;
	[tilespmem:$0x320] =	vst v58  }
0x63: {  	vm5 =	vlt.s32 v61, $0x7FFFFF;
	v63 =	vadd.s32 v40, v48;
	[tilespmem:$0x330] =	vst v60;
	v62 =	vnsel vm4, $0x7FFFFF, v59  }
0x64: {  	v54 =	vadd.s32 v41, v48;
	v53 =	vnsel vm5, $0x7FFFFF, v61;
	vm6 =	vlt.s32 v63, $0x7FFFFF;
	[tilespmem:$0x340] =	vst v62  }
0x65: {  	vm7 =	vlt.s32 v54, $0x7FFFFF;
	v56 =	vadd.s32 v42, v48;
	[tilespmem:$0x350] =	vst v53;
	v55 =	vnsel vm6, $0x7FFFFF, v63  }
0x66: {  	v48 =	vadd.s32 v43, v48;
	v57 =	vnsel vm7, $0x7FFFFF, v54;
	vm8 =	vlt.s32 v56, $0x7FFFFF;
	[tilespmem:$0x360] =	vst v55  }
0x67: {  	vm9 =	vlt.s32 v48, $0x7FFFFF;
	[tilespmem:$0x370] =	vst v57;
	v58 =	vnsel vm8, $0x7FFFFF, v56  }
0x68: {  	v48 =	vnsel vm9, $0x7FFFFF, v48;
	[tilespmem:$0x380] =	vst v58  }
0x69: {  	[tilespmem:$0x390] =	vst v48  }
0x6a: {  	[tilespmem:s12], [sflag:$0x1] =	stream.indirect.gather [hbm4b:s2+s9], $0x1, s11, s9, $0xb8;
	[tilespmem:$0xA80] =	vst v63  }
0x6b: {  	_ = 	snop  }
0x6c: {  	[tilespmem:s13], [sflag:$0x1] =	stream.indirect.gather [hbm4b:s3+s9], $0x1, s11, s9, $0xb8;
	[tilespmem:$0xA80] =	vst v63  }
0x6d: {  	_ = 	snop  }
0x6e: {  	[tilespmem:s15], [sflag:$0x1] =	stream.indirect.gather [hbm4b:s2+s9], $0x1, s14, s9, $0xb8;
	[tilespmem:$0xA80] =	vst v63  }
0x6f: {  	_ = 	snop  }
0x70: {  	[tilespmem:s16], [sflag:$0x1] =	stream.indirect.gather [hbm4b:s3+s9], $0x1, s14, s9, $0xb8;
	[tilespmem:$0xA80] =	vst v63  }
0x71: {  	_ = 	snop  }
0x72: {  	[tilespmem:s18], [sflag:$0x1] =	stream.indirect.gather [hbm4b:s2+s9], $0x1, s17, s9, $0xb8;
	[tilespmem:$0xA80] =	vst v63  }
0x73: {  	_ = 	snop  }
0x74: {  	[tilespmem:s19], [sflag:$0x1] =	stream.indirect.gather [hbm4b:s3+s9], $0x1, s17, s9, $0xb8;
	[tilespmem:$0xA80] =	vst v63  }
0x75: {  	_ = 	snop  }
0x76: {  	[tilespmem:s21], [sflag:$0x1] =	stream.indirect.gather [hbm4b:s2+s9], $0x1, s20, s9, $0xb8;
	[tilespmem:$0xA80] =	vst v63  }
0x77: {  	_ = 	snop  }
0x78: {  	[tilespmem:s22], [sflag:$0x1] =	stream.indirect.gather [hbm4b:s3+s9], $0x1, s20, s9, $0xb8;
	[tilespmem:$0xA80] =	vst v63  }
0x79: {  	_ = 	snop  }
0x7a: {  	[tilespmem:s24], [sflag:$0x1] =	stream.indirect.gather [hbm4b:s2+s9], $0x1, s23, s9, $0xb8;
	[tilespmem:$0xA80] =	vst v63  }
0x7b: {  	_ = 	snop  }
0x7c: {  	[tilespmem:s25], [sflag:$0x1] =	stream.indirect.gather [hbm4b:s3+s9], $0x1, s23, s9, $0xb8;
	[tilespmem:$0xA80] =	vst v63  }
0x7d: {  	_ = 	snop  }
0x7e: {  	[tilespmem:s28], [sflag:$0x1] =	stream.indirect.gather [hbm4b:s2+s8], $0x1, s26, s8, $0xb8;
	[tilespmem:$0xA80] =	vst v63  }
0x7f: {  	_ = 	snop  }
0x80: {  	[tilespmem:s29], [sflag:$0x1] =	stream.indirect.gather [hbm4b:s3+s8], $0x1, s26, s8, $0xb8;
	[tilespmem:$0xA80] =	vst v63  }
0x81: {  	_ =	swait.ge [sflag:s10], $0x80  }
0x82: {  	[sflag:s10] =	ssyncset.done $0x0  }
0x83: {  	[sflag:s10] =	ssyncadd.s32 $0xFFFFFF80  }
0x84: {  	_ =	swait.ge [sflag:s10], $0x80  }
0x85: {  	[sflag:s10] =	ssyncset.done $0x0  }
0x86: {  	[sflag:s10] =	ssyncadd.s32 $0xFFFFFF80  }
0x87: {  	_ =	swait.ge [sflag:s10], $0x80  }
0x88: {  	[sflag:s10] =	ssyncset.done $0x0  }
0x89: {  	[sflag:s10] =	ssyncadd.s32 $0xFFFFFF80  }
0x8a: {  	_ =	swait.ge [sflag:s10], $0x80  }
0x8b: {  	[sflag:s10] =	ssyncset.done $0x0  }
0x8c: {  	[sflag:s10] =	ssyncadd.s32 $0xFFFFFF80  }
0x8d: {  	_ =	swait.ge [sflag:s10], $0x80  }
0x8e: {  	[sflag:s10] =	ssyncset.done $0x0  }
0x8f: {  	[sflag:s10] =	ssyncadd.s32 $0xFFFFFF80  }
0x90: {  	_ =	swait.ge [sflag:s10], $0x80  }
0x91: {  	[sflag:s10] =	ssyncset.done $0x0  }
0x92: {  	[sflag:s10] =	ssyncadd.s32 $0xFFFFFF80  }
0x93: {  	_ =	swait.ge [sflag:s10], $0x80  }
0x94: {  	[sflag:s10] =	ssyncset.done $0x0  }
0x95: {  	[sflag:s10] =	ssyncadd.s32 $0xFFFFFF80  }
0x96: {  	_ =	swait.ge [sflag:s10], $0x80  }
0x97: {  	[sflag:s10] =	ssyncset.done $0x0  }
0x98: {  	[sflag:s10] =	ssyncadd.s32 $0xFFFFFF80  }
0x99: {  	_ =	swait.ge [sflag:s10], $0x80  }
0x9a: {  	[sflag:s10] =	ssyncset.done $0x0  }
0x9b: {  	[sflag:s10] =	ssyncadd.s32 $0xFFFFFF80  }
0x9c: {  	_ =	swait.ge [sflag:s10], $0x80  }
0x9d: {  	[sflag:s10] =	ssyncset.done $0x0  }
0x9e: {  	[sflag:s10] =	ssyncadd.s32 $0xFFFFFF80  }
0x9f: {  	_ =	swait.ge [sflag:s10], $0x20  }
0xa0: {  	[sflag:s10] =	ssyncset.done $0x0  }
0xa1: {  	[sflag:s10] =	ssyncadd.s32 $0xFFFFFFE0  }
0xa2: {  	_ =	swait.ge [sflag:s10], $0x20  }
0xa3: {  	[sflag:s10] =	ssyncset.done $0x0  }
0xa4: {  	[sflag:s10] =	ssyncadd.s32 $0xFFFFFFE0  }
0xa5: {  	v59 =	vld [tilespmem:$0x400]  }
0xa6: {  	v60 =	vld [tilespmem:$0x700]  }
0xa7: {  	v61 =	vld [tilespmem:$0x410]  }
0xa8: {  	v62 =	vld [tilespmem:$0x710]  }
0xa9: {  	v52 =	vld [tilespmem:$0x420]  }
0xaa: {  	v53 =	vld [tilespmem:$0x720]  }
0xab: {  	v63 =	vld [tilespmem:$0x430];
	v48 =	vsub.f32 v59, v60  }
0xac: {  	v46 =	vperm.xlane v45, v46;
	v54 =	vld [tilespmem:$0x730]  }
0xad: {  	v57 =	vld [tilespmem:$0x440];
	v50 =	vsub.f32 v61, v62;
	v48 =	vmul.f32 v48, v48  }
0xae: {  	vm10 =	vgt.s32 v46, v0;
	v55 =	vld [tilespmem:$0x740]  }
0xaf: {  	v58 =	vld [tilespmem:$0x450];
	v52 =	vsub.f32 v52, v53;
	v50 =	vmul.f32 v50, v50;
	v48 =	vnsel vm10, $0x0, v48  }
0xb0: {  	vm11 =	vgt.s32 v46, v3;
	v59 =	vld [tilespmem:$0x750];
	v47 =	vadd.f32 v48, v47  }
0xb1: {  	v49 =	vsub.f32 v63, v54;
	v60 =	vld [tilespmem:$0x460];
	v52 =	vmul.f32 v52, v52;
	v50 =	vnsel vm11, $0x0, v50  }
0xb2: {  	vm12 =	vgt.s32 v46, v4;
	v61 =	vld [tilespmem:$0x760];
	v47 =	vadd.f32 v50, v47  }
0xb3: {  	v51 =	vsub.f32 v57, v55;
	v62 =	vld [tilespmem:$0x470];
	v49 =	vmul.f32 v49, v49;
	v52 =	vnsel vm12, $0x0, v52  }
0xb4: {  	vm13 =	vgt.s32 v46, v5;
	v63 =	vld [tilespmem:$0x770];
	v47 =	vadd.f32 v52, v47  }
0xb5: {  	v57 =	vld [tilespmem:$0x480];
	v51 =	vmul.f32 v51, v51;
	v49 =	vnsel vm13, $0x0, v49;
	v48 =	vsub.f32 v58, v59  }
0xb6: {  	vm14 =	vgt.s32 v46, v6;
	v58 =	vld [tilespmem:$0x780];
	v47 =	vadd.f32 v49, v47  }
0xb7: {  	v51 =	vnsel vm14, $0x0, v51;
	v59 =	vld [tilespmem:$0x490];
	v48 =	vmul.f32 v48, v48;
	v50 =	vsub.f32 v60, v61  }
0xb8: {  	vm15 =	vgt.s32 v46, v7;
	v60 =	vld [tilespmem:$0x790];
	v47 =	vadd.f32 v51, v47  }
0xb9: {  	v61 =	vld [tilespmem:$0x4A0];
	v48 =	vnsel vm15, $0x0, v48;
	v50 =	vmul.f32 v50, v50;
	v52 =	vsub.f32 v62, v63  }
0xba: {  	vm4 =	vgt.s32 v46, v8;
	v62 =	vld [tilespmem:$0x7A0];
	v47 =	vadd.f32 v48, v47  }
0xbb: {  	v63 =	vld [tilespmem:$0x4B0];
	v50 =	vnsel vm4, $0x0, v50;
	v52 =	vmul.f32 v52, v52;
	v49 =	vsub.f32 v57, v58  }
0xbc: {  	vm5 =	vgt.s32 v46, v9;
	v57 =	vld [tilespmem:$0x7B0];
	v47 =	vadd.f32 v50, v47  }
0xbd: {  	v58 =	vld [tilespmem:$0x4C0];
	v52 =	vnsel vm5, $0x0, v52;
	v49 =	vmul.f32 v49, v49;
	v51 =	vsub.f32 v59, v60  }
0xbe: {  	vm6 =	vgt.s32 v46, v10;
	v59 =	vld [tilespmem:$0x7C0];
	v47 =	vadd.f32 v52, v47  }
0xbf: {  	v60 =	vld [tilespmem:$0x4D0];
	v49 =	vnsel vm6, $0x0, v49;
	v51 =	vmul.f32 v51, v51;
	v48 =	vsub.f32 v61, v62  }
0xc0: {  	vm7 =	vgt.s32 v46, v11;
	v61 =	vld [tilespmem:$0x7D0];
	v47 =	vadd.f32 v49, v47  }
0xc1: {  	v62 =	vld [tilespmem:$0x4E0];
	v51 =	vnsel vm7, $0x0, v51;
	v48 =	vmul.f32 v48, v48;
	v50 =	vsub.f32 v63, v57  }
0xc2: {  	vm8 =	vgt.s32 v46, v12;
	v63 =	vld [tilespmem:$0x7E0];
	v47 =	vadd.f32 v51, v47  }
0xc3: {  	v57 =	vld [tilespmem:$0x4F0];
	v48 =	vnsel vm8, $0x0, v48;
	v50 =	vmul.f32 v50, v50;
	v52 =	vsub.f32 v58, v59  }
0xc4: {  	vm9 =	vgt.s32 v46, v13;
	v58 =	vld [tilespmem:$0x7F0];
	v47 =	vadd.f32 v48, v47  }
0xc5: {  	v59 =	vld [tilespmem:$0x500];
	v50 =	vnsel vm9, $0x0, v50;
	v52 =	vmul.f32 v52, v52;
	v49 =	vsub.f32 v60, v61  }
0xc6: {  	vm10 =	vgt.s32 v46, v14;
	v60 =	vld [tilespmem:$0x800];
	v47 =	vadd.f32 v50, v47  }
0xc7: {  	v61 =	vld [tilespmem:$0x510];
	v52 =	vnsel vm10, $0x0, v52;
	v49 =	vmul.f32 v49, v49;
	v51 =	vsub.f32 v62, v63  }
0xc8: {  	vm11 =	vgt.s32 v46, v15;
	v62 =	vld [tilespmem:$0x810];
	v47 =	vadd.f32 v52, v47  }
0xc9: {  	v63 =	vld [tilespmem:$0x520];
	v49 =	vnsel vm11, $0x0, v49;
	v51 =	vmul.f32 v51, v51;
	v48 =	vsub.f32 v57, v58  }
0xca: {  	vm12 =	vgt.s32 v46, v16;
	v57 =	vld [tilespmem:$0x820];
	v47 =	vadd.f32 v49, v47  }
0xcb: {  	v58 =	vld [tilespmem:$0x530];
	v51 =	vnsel vm12, $0x0, v51;
	v48 =	vmul.f32 v48, v48;
	v50 =	vsub.f32 v59, v60  }
0xcc: {  	vm13 =	vgt.s32 v46, v17;
	v59 =	vld [tilespmem:$0x830];
	v47 =	vadd.f32 v51, v47  }
0xcd: {  	v60 =	vld [tilespmem:$0x540];
	v48 =	vnsel vm13, $0x0, v48;
	v50 =	vmul.f32 v50, v50;
	v52 =	vsub.f32 v61, v62  }
0xce: {  	vm14 =	vgt.s32 v46, v18;
	v61 =	vld [tilespmem:$0x840];
	v47 =	vadd.f32 v48, v47  }
0xcf: {  	v62 =	vld [tilespmem:$0x550];
	v50 =	vnsel vm14, $0x0, v50;
	v52 =	vmul.f32 v52, v52;
	v49 =	vsub.f32 v63, v57  }
0xd0: {  	vm15 =	vgt.s32 v46, v19;
	v63 =	vld [tilespmem:$0x850];
	v47 =	vadd.f32 v50, v47  }
0xd1: {  	v57 =	vld [tilespmem:$0x560];
	v52 =	vnsel vm15, $0x0, v52;
	v49 =	vmul.f32 v49, v49;
	v51 =	vsub.f32 v58, v59  }
0xd2: {  	vm4 =	vgt.s32 v46, v20;
	v58 =	vld [tilespmem:$0x860];
	v47 =	vadd.f32 v52, v47  }
0xd3: {  	v59 =	vld [tilespmem:$0x570];
	v49 =	vnsel vm4, $0x0, v49;
	v51 =	vmul.f32 v51, v51;
	v48 =	vsub.f32 v60, v61  }
0xd4: {  	vm5 =	vgt.s32 v46, v21;
	v60 =	vld [tilespmem:$0x870];
	v47 =	vadd.f32 v49, v47  }
0xd5: {  	v61 =	vld [tilespmem:$0x580];
	v51 =	vnsel vm5, $0x0, v51;
	v48 =	vmul.f32 v48, v48;
	v50 =	vsub.f32 v62, v63  }
0xd6: {  	vm6 =	vgt.s32 v46, v22;
	v62 =	vld [tilespmem:$0x880];
	v47 =	vadd.f32 v51, v47  }
0xd7: {  	v63 =	vld [tilespmem:$0x590];
	v48 =	vnsel vm6, $0x0, v48;
	v50 =	vmul.f32 v50, v50;
	v52 =	vsub.f32 v57, v58  }
0xd8: {  	vm7 =	vgt.s32 v46, v23;
	v57 =	vld [tilespmem:$0x890];
	v47 =	vadd.f32 v48, v47  }
0xd9: {  	v58 =	vld [tilespmem:$0x5A0];
	v50 =	vnsel vm7, $0x0, v50;
	v52 =	vmul.f32 v52, v52;
	v49 =	vsub.f32 v59, v60  }
0xda: {  	vm8 =	vgt.s32 v46, v24;
	v59 =	vld [tilespmem:$0x8A0];
	v47 =	vadd.f32 v50, v47  }
0xdb: {  	v60 =	vld [tilespmem:$0x5B0];
	v52 =	vnsel vm8, $0x0, v52;
	v49 =	vmul.f32 v49, v49;
	v51 =	vsub.f32 v61, v62  }
0xdc: {  	vm9 =	vgt.s32 v46, v25;
	v61 =	vld [tilespmem:$0x8B0];
	v47 =	vadd.f32 v52, v47  }
0xdd: {  	v62 =	vld [tilespmem:$0x5C0];
	v49 =	vnsel vm9, $0x0, v49;
	v51 =	vmul.f32 v51, v51;
	v48 =	vsub.f32 v63, v57  }
0xde: {  	vm10 =	vgt.s32 v46, v26;
	v63 =	vld [tilespmem:$0x8C0];
	v47 =	vadd.f32 v49, v47  }
0xdf: {  	v57 =	vld [tilespmem:$0x5D0];
	v51 =	vnsel vm10, $0x0, v51;
	v48 =	vmul.f32 v48, v48;
	v50 =	vsub.f32 v58, v59  }
0xe0: {  	vm11 =	vgt.s32 v46, v27;
	v58 =	vld [tilespmem:$0x8D0];
	v47 =	vadd.f32 v51, v47  }
0xe1: {  	v59 =	vld [tilespmem:$0x5E0];
	v48 =	vnsel vm11, $0x0, v48;
	v50 =	vmul.f32 v50, v50;
	v52 =	vsub.f32 v60, v61  }
0xe2: {  	vm12 =	vgt.s32 v46, v28;
	v60 =	vld [tilespmem:$0x8E0];
	v47 =	vadd.f32 v48, v47  }
0xe3: {  	v61 =	vld [tilespmem:$0x5F0];
	v50 =	vnsel vm12, $0x0, v50;
	v52 =	vmul.f32 v52, v52;
	v49 =	vsub.f32 v62, v63  }
0xe4: {  	vm13 =	vgt.s32 v46, v29;
	v62 =	vld [tilespmem:$0x8F0];
	v47 =	vadd.f32 v50, v47  }
0xe5: {  	v63 =	vld [tilespmem:$0x600];
	v52 =	vnsel vm13, $0x0, v52;
	v49 =	vmul.f32 v49, v49;
	v51 =	vsub.f32 v57, v58  }
0xe6: {  	vm14 =	vgt.s32 v46, v30;
	v57 =	vld [tilespmem:$0x900];
	v47 =	vadd.f32 v52, v47  }
0xe7: {  	v58 =	vld [tilespmem:$0x610];
	v49 =	vnsel vm14, $0x0, v49;
	v51 =	vmul.f32 v51, v51;
	v48 =	vsub.f32 v59, v60  }
0xe8: {  	vm15 =	vgt.s32 v46, v31;
	v59 =	vld [tilespmem:$0x910];
	v47 =	vadd.f32 v49, v47  }
0xe9: {  	v60 =	vld [tilespmem:$0x620];
	v51 =	vnsel vm15, $0x0, v51;
	v48 =	vmul.f32 v48, v48;
	v50 =	vsub.f32 v61, v62  }
0xea: {  	vm4 =	vgt.s32 v46, v32;
	v61 =	vld [tilespmem:$0x920];
	v47 =	vadd.f32 v51, v47  }
0xeb: {  	v62 =	vld [tilespmem:$0x630];
	v48 =	vnsel vm4, $0x0, v48;
	v50 =	vmul.f32 v50, v50;
	v52 =	vsub.f32 v63, v57  }
0xec: {  	vm5 =	vgt.s32 v46, v33;
	v63 =	vld [tilespmem:$0x930];
	v47 =	vadd.f32 v48, v47  }
0xed: {  	v57 =	vld [tilespmem:$0x640];
	v50 =	vnsel vm5, $0x0, v50;
	v52 =	vmul.f32 v52, v52;
	v49 =	vsub.f32 v58, v59  }
0xee: {  	vm6 =	vgt.s32 v46, v34;
	v58 =	vld [tilespmem:$0x940];
	v47 =	vadd.f32 v50, v47  }
0xef: {  	v59 =	vld [tilespmem:$0x650];
	v52 =	vnsel vm6, $0x0, v52;
	v49 =	vmul.f32 v49, v49;
	v51 =	vsub.f32 v60, v61  }
0xf0: {  	vm7 =	vgt.s32 v46, v35;
	v60 =	vld [tilespmem:$0x950];
	v47 =	vadd.f32 v52, v47  }
0xf1: {  	v61 =	vld [tilespmem:$0x660];
	v49 =	vnsel vm7, $0x0, v49;
	v51 =	vmul.f32 v51, v51;
	v48 =	vsub.f32 v62, v63  }
0xf2: {  	vm8 =	vgt.s32 v46, v36;
	v62 =	vld [tilespmem:$0x960];
	v47 =	vadd.f32 v49, v47  }
0xf3: {  	v63 =	vld [tilespmem:$0x670];
	v51 =	vnsel vm8, $0x0, v51;
	v48 =	vmul.f32 v48, v48;
	v50 =	vsub.f32 v57, v58  }
0xf4: {  	vm9 =	vgt.s32 v46, v37;
	v57 =	vld [tilespmem:$0x970];
	v47 =	vadd.f32 v51, v47  }
0xf5: {  	v58 =	vld [tilespmem:$0x680];
	v48 =	vnsel vm9, $0x0, v48;
	v50 =	vmul.f32 v50, v50;
	v52 =	vsub.f32 v59, v60  }
0xf6: {  	vm10 =	vgt.s32 v46, v38;
	v59 =	vld [tilespmem:$0x980];
	v47 =	vadd.f32 v48, v47  }
0xf7: {  	v60 =	vld [tilespmem:$0x690];
	v50 =	vnsel vm10, $0x0, v50;
	v52 =	vmul.f32 v52, v52;
	v49 =	vsub.f32 v61, v62  }
0xf8: {  	vm11 =	vgt.s32 v46, v39;
	v61 =	vld [tilespmem:$0x990];
	v47 =	vadd.f32 v50, v47  }
0xf9: {  	v51 =	vsub.f32 v63, v57;
	v52 =	vnsel vm11, $0x0, v52;
	v49 =	vmul.f32 v49, v49  }
0xfa: {  	vm12 =	vgt.s32 v46, v40;
	v47 =	vadd.f32 v52, v47  }
0xfb: {  	v48 =	vsub.f32 v58, v59;
	v49 =	vnsel vm12, $0x0, v49;
	v51 =	vmul.f32 v51, v51  }
0xfc: {  	vm13 =	vgt.s32 v46, v41;
	v47 =	vadd.f32 v49, v47  }
0xfd: {  	p0 =	sne.s32 s0, $0xF;
	v62 =	vsub.f32 v60, v61;
	v63 =	vnsel vm13, $0x0, v51;
	v48 =	vmul.f32 v48, v48  }
.Ltmp1:
0xfe: {  	vm14 =	vgt.s32 v46, v42;
	v47 =	vadd.f32 v63, v47;
	(pc) =	sbr.rel @p0 .LBB2_4-.Ltmp1, $4  }
0xff: {  	v48 =	vnsel vm14, $0x0, v48;
	v49 =	vmul.f32 v62, v62  }
0x100: {  	vm15 =	vgt.s32 v46, v43;
	v47 =	vadd.f32 v48, v47  }
0x101: {  	v46 =	vnsel vm15, $0x0, v49  }
0x102: {  	s0 =	sadd.s32 $0x1, s0;
	v47 =	vadd.f32 v46, v47  }
0x103: {  	s4 =	sadd.s32 $0x1, s4  }
0x104: {  	p0 =	sne.s32 s4, s7  }
.Ltmp2:
0x105: {  	[tilespmem:$0xA00] =	vst v47;
	(pc) =	sbr.rel @p0 .LBB2_1-.Ltmp2, $4  }
0x106: {  	[hbm4b:s6+s5] =	stream.linear.scatter [tilespmem:s30], [sflag:$0x2], $0x80, $0x38;
	[tilespmem:$0xA80] =	vst v63  }
0x107: {  	_ =	swait.ge [sflag:s31], $0x80  }
0x108: {  	[sflag:s31] =	ssyncset.done $0x0  }
0x109: {  	[sflag:s31] =	ssyncadd.s32 $0xFFFFFF80  }
0x10a: {  	_ =	sfence.sel $0x180000  }
0x10b: {  	[bflag:$0x0] =	sbarrier.arrive $0xFFFF  }
0x10c: {  	_ =	strace $0x90000047  }
0x10d: {  	s0 =	stileid.u32;
	[bflag:$0x2] =	sbarrier.arrive $0xFFFF  }
0x10e: {  	p0 =	sne.s32 s0, $0x0;
	s0 =	rddreg [dreg:$0x4]  }
0x10f: {  	s0 =	sadd.s32 @!p0 $0x100000, s0  }
0x110: {  	[sflag:s0] =	ssyncadd.tile.s32 @!p0 $0x1;
	_ =	shalt  }
.Lfunc_end2:
_tile_overlayer_lowered:
.L_overlay_start_2:
0x111: {  	(tag) =	ssettag $0x2  }
0x112: {  	s0 =	rddreg [dreg:$0x0];
	s2 =	stileid.u32  }
0x113: {  	s1 =	rddreg [dreg:$0x1];
	p0 =	sne.s32 s2, $0x0  }
0x114: {  	s3 =	rddreg [dreg:$0x2];
	[bflag:$0x3] =	sbarrier.arrive $0xFFFF;
	s2 =	simm.s32 @!p0 $0x1C02  }
0x115: {  	[timem:s3], [sflag:s2] =	dma.local @!p0 [hbm:s0], s1  }
0x116: {  	s0 =	simm.s32 @!p0 $0x2  }
0x117: {  	_ =	swait.ge @!p0 [sflag:s0], s1  }
0x118: {  	s1 =	ssub.s32 @!p0 $0x0, s1;
	[sflag:s0] =	ssyncset.done @!p0 $0x0  }
0x119: {  	[sflag:s0] =	ssyncadd.s32 @!p0 s1  }
0x11a: {  	[bflag:$0x3] =	sbarrier.arrive $0xFFFF  }
0x11b: {  	_ =	shalt  }

</sc_bundles>
